<compile_context>
chip_gen: v7x
topology: tpu7x:2x2x1
jax: 0.10.2.dev20260603
libtpu: 0.0.44.dev20260713+nightly
codegen_flags: <defaults>
</compile_context>

<pallas_src>
import jax
import jax.numpy as jnp
from jax import lax
from jax.experimental import pallas as pl
from jax.experimental.pallas import tpu as pltpu
from jax.experimental.pallas import tpu_sc as plsc

DIM = 50
DIM_PAD = 56
NC, NS = 2, 16
NW = NC * NS
CHUNK = 512
TAIL = 34


def _gather_body(table_hbm, idx_hbm, out_hbm,
                 idx_v0, idx_v1, raw_v0, raw_v1, pck_v0, pck_v1,
                 sem_g0, sem_g1, sem_o0, sem_o1):
    wid = lax.axis_index("s") * NC + lax.axis_index("c")
    n = idx_hbm.shape[0]
    b_per_w = n // NW
    n_chunks = b_per_w // CHUNK
    base = wid * b_per_w
    idx_bufs = (idx_v0, idx_v1)
    raw_bufs = (raw_v0, raw_v1)
    pck_bufs = (pck_v0, pck_v1)
    sem_g = (sem_g0, sem_g1)
    sem_o = (sem_o0, sem_o1)
    lanes = lax.iota(jnp.int32, 16) + TAIL

    def start_gather(g, b):
        off = base + g * CHUNK
        pltpu.sync_copy(idx_hbm.at[pl.ds(off, CHUNK)], idx_bufs[b])
        pltpu.make_async_copy(
            table_hbm.at[idx_bufs[b]], raw_bufs[b], sem_g[b]).start()

    def gather_wait(b):
        pltpu.make_async_copy(
            table_hbm.at[idx_bufs[b]], raw_bufs[b], sem_g[b]).wait()

    def out_copy(g, b):
        off = base + g * CHUNK
        return pltpu.make_async_copy(
            pck_bufs[b], out_hbm.at[pl.ds(off * DIM, CHUNK * DIM)], sem_o[b])

    def depad(b):
        def rows(r2, carry):
            for u in range(4):
                r = r2 * 4 + u
                q = r * DIM
                for c in (0, 16, 32, TAIL):
                    pck_bufs[b][pl.ds(q + c, 16)] = raw_bufs[b][r, pl.ds(c, 16)]
            return carry

        lax.fori_loop(0, CHUNK // 4, rows, 0)

    start_gather(0, 0)

    def body(g, carry):
        b = lax.rem(g, 2)
        for bb in (0, 1):
            @pl.when(b == bb)
            def _():
                gather_wait(bb)

                @pl.when(g + 1 < n_chunks)
                def _():
                    start_gather(g + 1, 1 - bb)
                depad(bb)

                @pl.when(g >= 2)
                def _():
                    out_copy(g - 2, bb).wait()
                out_copy(g, bb).start()
        return carry

    lax.fori_loop(0, n_chunks, body, 0)
    out_copy(n_chunks - 2, n_chunks % 2).wait()
    out_copy(n_chunks - 1, 1 - n_chunks % 2).wait()


def kernel(x, table):
    B, L = x.shape
    n = B * L
    idx = x.reshape(n)
    table_p = jnp.pad(table, ((0, 0), (0, DIM_PAD - DIM)))
    mesh = plsc.VectorSubcoreMesh(
        core_axis_name="c", subcore_axis_name="s",
        num_cores=NC, num_subcores=NS)
    out = pl.kernel(
        _gather_body,
        out_type=jax.ShapeDtypeStruct((n * DIM,), jnp.float32),
        mesh=mesh,
        scratch_types=[
            pltpu.VMEM((CHUNK,), jnp.int32),
            pltpu.VMEM((CHUNK,), jnp.int32),
            pltpu.VMEM((CHUNK, DIM_PAD), jnp.float32),
            pltpu.VMEM((CHUNK, DIM_PAD), jnp.float32),
            pltpu.VMEM((CHUNK * DIM,), jnp.float32),
            pltpu.VMEM((CHUNK * DIM,), jnp.float32),
            pltpu.SemaphoreType.DMA,
            pltpu.SemaphoreType.DMA,
            pltpu.SemaphoreType.DMA,
            pltpu.SemaphoreType.DMA,
        ],
        compiler_params=pltpu.CompilerParams(
            use_tc_tiling_on_sc=False, needs_layout_passes=False),
    )(table_p, idx)
    return out.reshape(B, L, DIM)

# --- scband reference (transcript-rebuilt; emitter-appended) ---
"""Pipeline reference for scband-bpembedding-80625126080972 (READ-ONLY COPY).

The authoritative reference and input builder live on the scoring server;
editing this copy changes nothing except your own understanding.
"""

import jax, jax.numpy as jnp
import numpy as np

VOCAB = 100001  # vocab-size 100000 + pad embedding (add_pad_emb=True)
DIM = 50
B = 16384
L = 200

def setup_inputs(seed: int = 0) -> dict:
    key = jax.random.key(seed)
    k1, k2 = jax.random.split(key)
    x = jax.random.randint(k1, (B, L), 0, VOCAB, dtype=jnp.int64 if jax.config.jax_enable_x64 else jnp.int32).astype(jnp.int32)
    table = jax.random.normal(k2, (VOCAB, DIM), dtype=jnp.float32) * 0.02
    return {"x": x, "table": table}

def reference(x, table):
    # nn.Embedding.from_pretrained(...).float() forward: plain row gather
    return jnp.take(table, x, axis=0)

if __name__ == "__main__":
    import jax
    _d = setup_inputs()
    print(jax.jit(kernel)(*tuple(_d.values())))

</pallas_src>

<mosaic_0001>
#map = affine_map<(d0, d1) -> (0, 0)>
#map1 = affine_map<(d0, d1) -> (0)>
module attributes {stable_mosaic.version = 14 : i64} {
  func.func @_gather_body(%arg0: i32, %arg1: i32, %arg2: memref<100001x56xf32, #tpu.memory_space<hbm>>, %arg3: memref<3276800xi32, #tpu.memory_space<hbm>>, %arg4: memref<163840000xf32, #tpu.memory_space<hbm>>, %arg5: memref<512xi32, #tpu.memory_space<vmem>>, %arg6: memref<512xi32, #tpu.memory_space<vmem>>, %arg7: memref<512x56xf32, #tpu.memory_space<vmem>>, %arg8: memref<512x56xf32, #tpu.memory_space<vmem>>, %arg9: memref<25600xf32, #tpu.memory_space<vmem>>, %arg10: memref<25600xf32, #tpu.memory_space<vmem>>, %arg11: memref<!tpu.dma_semaphore, #tpu.memory_space<semaphore_mem>>, %arg12: memref<!tpu.dma_semaphore, #tpu.memory_space<semaphore_mem>>, %arg13: memref<!tpu.dma_semaphore, #tpu.memory_space<semaphore_mem>>, %arg14: memref<!tpu.dma_semaphore, #tpu.memory_space<semaphore_mem>>) attributes {dimension_semantics = [#tpu.dimension_semantics<core_parallel>, #tpu.dimension_semantics<subcore_parallel>], iteration_bounds = array<i64: 2, 16>, scalar_prefetch = 0 : i64, scratch_operands = 10 : i64, tpu.core_type = #tpu.core_type<sc_vector_subcore>, window_params = [{transform_indices = #map}, {transform_indices = #map1}, {transform_indices = #map1}]} {
    %mul3A = arith.constant 2 : i32
    %mul3A_0 = arith.muli %arg1, %mul3A : i32
    %add3A = arith.addi %mul3A_0, %arg0 : i32
    %mul3A_1 = arith.constant 102400 : i32
    %mul3A_2 = arith.muli %add3A, %mul3A_1 : i32
    %iota3A = tpu.iota {dimensions = array<i32: 0>} : vector<16xi32>
    %add3A_3 = arith.constant 34 : i32
    %add3A_4 = vector.broadcast %add3A_3 : i32 to vector<16xi32>
    %add3A_5 = arith.addi %iota3A, %add3A_4 : vector<16xi32>
    %add3A_6 = arith.constant 0 : i32
    %add3A_7 = arith.addi %mul3A_2, %add3A_6 : i32
    "tpu.region"() ({
      %run_scoped3A = tpu.sem_alloc : memref<!tpu.dma_semaphore, #tpu.memory_space<semaphore_mem>>
      %dma_start3A_26 = tpu.memref_slice %arg3[%add3A_7] : memref<3276800xi32, #tpu.memory_space<hbm>> -> memref<512xi32, #tpu.memory_space<hbm>>
      %dma_start3A_27 = tpu.memref_slice %arg3[%add3A_7] : memref<3276800xi32, #tpu.memory_space<hbm>> -> memref<512xi32, #tpu.memory_space<hbm>>
      tpu.enqueue_dma source(%dma_start3A_27 : memref<512xi32, #tpu.memory_space<hbm>>) target(%arg5 : memref<512xi32, #tpu.memory_space<vmem>>) target_semaphore(%run_scoped3A : memref<!tpu.dma_semaphore, #tpu.memory_space<semaphore_mem>>)
      %dma_wait3A_28 = tpu.memref_slice %arg3[%add3A_7] : memref<3276800xi32, #tpu.memory_space<hbm>> -> memref<512xi32, #tpu.memory_space<hbm>>
      %dma_wait3A_29 = tpu.memref_slice %arg3[%add3A_7] : memref<3276800xi32, #tpu.memory_space<hbm>> -> memref<512xi32, #tpu.memory_space<hbm>>
      tpu.wait_dma2 semaphore(%run_scoped3A : memref<!tpu.dma_semaphore, #tpu.memory_space<semaphore_mem>>) src(%dma_wait3A_29 : memref<512xi32, #tpu.memory_space<hbm>>) dst(%arg5 : memref<512xi32, #tpu.memory_space<vmem>>)
      tpu.yield
    }) : () -> ()
    %dma_start3A = arith.constant 0 : i32
    %dma_start3A_8 = arith.constant 0 : i32
    %dma_start3A_9 = tpu.memref_slice %arg2[%dma_start3A, %dma_start3A_8] : memref<100001x56xf32, #tpu.memory_space<hbm>> -> memref<100001x56xf32, #tpu.memory_space<hbm>>
    tpu.enqueue_indirect_dma source(%dma_start3A_9 : memref<100001x56xf32, #tpu.memory_space<hbm>>) target(%arg7 : memref<512x56xf32, #tpu.memory_space<vmem>>) offsets(%arg5 : memref<512xi32, #tpu.memory_space<vmem>>) semaphore(%arg11 : memref<!tpu.dma_semaphore, #tpu.memory_space<semaphore_mem>>)
    %scan3A = arith.constant 0 : i32
    %scan3A_10 = arith.constant 0 : i32
    %scan3A_11 = arith.constant 200 : i32
    %scan3A_12 = arith.addi %scan3A_10, %scan3A_11 : i32
    %scan3A_13 = arith.constant 1 : i32
    scf.for %scan3A_26 = %scan3A_10 to %scan3A_12 step %scan3A_13  : i32 {
      %rem3A = arith.constant 2 : i32
      %rem3A_27 = arith.remsi %scan3A_26, %rem3A : i32
      %eq3A = arith.constant 0 : i32
      %eq3A_28 = arith.cmpi eq, %rem3A_27, %eq3A : i32
      %convert_element_type3A = arith.extui %eq3A_28 : i1 to i32
      %cond3A = arith.constant 0 : i32
      %cond3A_29 = arith.cmpi ne, %convert_element_type3A, %cond3A : i32
      scf.if %cond3A_29 {
        %dma_wait3A_35 = arith.constant 0 : i32
        %dma_wait3A_36 = arith.constant 0 : i32
        %dma_wait3A_37 = tpu.memref_slice %arg2[%dma_wait3A_35, %dma_wait3A_36] : memref<100001x56xf32, #tpu.memory_space<hbm>> -> memref<100001x56xf32, #tpu.memory_space<hbm>>
        tpu.wait_indirect_dma semaphore(%arg11 : memref<!tpu.dma_semaphore, #tpu.memory_space<semaphore_mem>>) src(%dma_wait3A_37 : memref<100001x56xf32, #tpu.memory_space<hbm>>) dst(%arg7 : memref<512x56xf32, #tpu.memory_space<vmem>>)
        %add3A_38 = arith.constant 1 : i32
        %add3A_39 = arith.addi %scan3A_26, %add3A_38 : i32
        %lt3A = arith.constant 200 : i32
        %lt3A_40 = arith.cmpi slt, %add3A_39, %lt3A : i32
        %convert_element_type3A_41 = arith.extui %lt3A_40 : i1 to i32
        %cond3A_42 = arith.constant 0 : i32
        %cond3A_43 = arith.cmpi ne, %convert_element_type3A_41, %cond3A_42 : i32
        scf.if %cond3A_43 {
          %add3A_61 = arith.constant 1 : i32
          %add3A_62 = arith.addi %scan3A_26, %add3A_61 : i32
          %mul3A_63 = arith.constant 512 : i32
          %mul3A_64 = arith.muli %add3A_62, %mul3A_63 : i32
          %add3A_65 = arith.addi %mul3A_2, %mul3A_64 : i32
          "tpu.region"() ({
            %run_scoped3A = tpu.sem_alloc : memref<!tpu.dma_semaphore, #tpu.memory_space<semaphore_mem>>
            %dma_start3A_69 = tpu.memref_slice %arg3[%add3A_65] : memref<3276800xi32, #tpu.memory_space<hbm>> -> memref<512xi32, #tpu.memory_space<hbm>>
            %dma_start3A_70 = tpu.memref_slice %arg3[%add3A_65] : memref<3276800xi32, #tpu.memory_space<hbm>> -> memref<512xi32, #tpu.memory_space<hbm>>
            tpu.enqueue_dma source(%dma_start3A_70 : memref<512xi32, #tpu.memory_space<hbm>>) target(%arg6 : memref<512xi32, #tpu.memory_space<vmem>>) target_semaphore(%run_scoped3A : memref<!tpu.dma_semaphore, #tpu.memory_space<semaphore_mem>>)
            %dma_wait3A_71 = tpu.memref_slice %arg3[%add3A_65] : memref<3276800xi32, #tpu.memory_space<hbm>> -> memref<512xi32, #tpu.memory_space<hbm>>
            %dma_wait3A_72 = tpu.memref_slice %arg3[%add3A_65] : memref<3276800xi32, #tpu.memory_space<hbm>> -> memref<512xi32, #tpu.memory_space<hbm>>
            tpu.wait_dma2 semaphore(%run_scoped3A : memref<!tpu.dma_semaphore, #tpu.memory_space<semaphore_mem>>) src(%dma_wait3A_72 : memref<512xi32, #tpu.memory_space<hbm>>) dst(%arg6 : memref<512xi32, #tpu.memory_space<vmem>>)
            tpu.yield
          }) : () -> ()
          %dma_start3A_66 = arith.constant 0 : i32
          %dma_start3A_67 = arith.constant 0 : i32
          %dma_start3A_68 = tpu.memref_slice %arg2[%dma_start3A_66, %dma_start3A_67] : memref<100001x56xf32, #tpu.memory_space<hbm>> -> memref<100001x56xf32, #tpu.memory_space<hbm>>
          tpu.enqueue_indirect_dma source(%dma_start3A_68 : memref<100001x56xf32, #tpu.memory_space<hbm>>) target(%arg8 : memref<512x56xf32, #tpu.memory_space<vmem>>) offsets(%arg6 : memref<512xi32, #tpu.memory_space<vmem>>) semaphore(%arg12 : memref<!tpu.dma_semaphore, #tpu.memory_space<semaphore_mem>>)
        } else {
        }
        %scan3A_44 = arith.constant 0 : i32
        %scan3A_45 = arith.constant 0 : i32
        %scan3A_46 = arith.constant 128 : i32
        %scan3A_47 = arith.addi %scan3A_45, %scan3A_46 : i32
        %scan3A_48 = arith.constant 1 : i32
        scf.for %scan3A_61 = %scan3A_45 to %scan3A_47 step %scan3A_48  : i32 {
          %mul3A_62 = arith.constant 4 : i32
          %mul3A_63 = arith.muli %scan3A_61, %mul3A_62 : i32
          %add3A_64 = arith.constant 0 : i32
          %add3A_65 = arith.addi %mul3A_63, %add3A_64 : i32
          %mul3A_66 = arith.constant 50 : i32
          %mul3A_67 = arith.muli %add3A_65, %mul3A_66 : i32
          %get3A = arith.index_cast %add3A_65 : i32 to index
          %get3A_68 = arith.constant 0 : index
          %get3A_69 = tpu.vector_load %arg7[%get3A, %get3A_68] {strides = array<i32>} : memref<512x56xf32, #tpu.memory_space<vmem>>, vector<16xf32>,
          %add3A_70 = arith.constant 0 : i32
          %add3A_71 = arith.addi %mul3A_67, %add3A_70 : i32
          %swap3A = arith.index_cast %add3A_71 : i32 to index
          %swap3A_72 = tpu.vector_load %arg9[%swap3A] {strides = array<i32>} : memref<25600xf32, #tpu.memory_space<vmem>>, vector<16xf32>,
          tpu.vector_store %arg9[%swap3A], %get3A_69 {strides = array<i32>} : memref<25600xf32, #tpu.memory_space<vmem>>, vector<16xf32>,
          %get3A_73 = arith.index_cast %add3A_65 : i32 to index
          %get3A_74 = arith.constant 16 : index
          %get3A_75 = tpu.vector_load %arg7[%get3A_73, %get3A_74] {strides = array<i32>} : memref<512x56xf32, #tpu.memory_space<vmem>>, vector<16xf32>,
          %add3A_76 = arith.constant 16 : i32
          %add3A_77 = arith.addi %mul3A_67, %add3A_76 : i32
          %swap3A_78 = arith.index_cast %add3A_77 : i32 to index
          %swap3A_79 = tpu.vector_load %arg9[%swap3A_78] {strides = array<i32>} : memref<25600xf32, #tpu.memory_space<vmem>>, vector<16xf32>,
          tpu.vector_store %arg9[%swap3A_78], %get3A_75 {strides = array<i32>} : memref<25600xf32, #tpu.memory_space<vmem>>, vector<16xf32>,
          %get3A_80 = arith.index_cast %add3A_65 : i32 to index
          %get3A_81 = arith.constant 32 : index
          %get3A_82 = tpu.vector_load %arg7[%get3A_80, %get3A_81] {strides = array<i32>} : memref<512x56xf32, #tpu.memory_space<vmem>>, vector<16xf32>,
          %add3A_83 = arith.constant 32 : i32
          %add3A_84 = arith.addi %mul3A_67, %add3A_83 : i32
          %swap3A_85 = arith.index_cast %add3A_84 : i32 to index
          %swap3A_86 = tpu.vector_load %arg9[%swap3A_85] {strides = array<i32>} : memref<25600xf32, #tpu.memory_space<vmem>>, vector<16xf32>,
          tpu.vector_store %arg9[%swap3A_85], %get3A_82 {strides = array<i32>} : memref<25600xf32, #tpu.memory_space<vmem>>, vector<16xf32>,
          %get3A_87 = arith.index_cast %add3A_65 : i32 to index
          %get3A_88 = arith.constant 34 : index
          %get3A_89 = tpu.vector_load %arg7[%get3A_87, %get3A_88] {strides = array<i32>} : memref<512x56xf32, #tpu.memory_space<vmem>>, vector<16xf32>,
          %add3A_90 = arith.constant 34 : i32
          %add3A_91 = arith.addi %mul3A_67, %add3A_90 : i32
          %swap3A_92 = arith.index_cast %add3A_91 : i32 to index
          %swap3A_93 = tpu.vector_load %arg9[%swap3A_92] {strides = array<i32>} : memref<25600xf32, #tpu.memory_space<vmem>>, vector<16xf32>,
          tpu.vector_store %arg9[%swap3A_92], %get3A_89 {strides = array<i32>} : memref<25600xf32, #tpu.memory_space<vmem>>, vector<16xf32>,
          %mul3A_94 = arith.constant 4 : i32
          %mul3A_95 = arith.muli %scan3A_61, %mul3A_94 : i32
          %add3A_96 = arith.constant 1 : i32
          %add3A_97 = arith.addi %mul3A_95, %add3A_96 : i32
          %mul3A_98 = arith.constant 50 : i32
          %mul3A_99 = arith.muli %add3A_97, %mul3A_98 : i32
          %get3A_100 = arith.index_cast %add3A_97 : i32 to index
          %get3A_101 = arith.constant 0 : index
          %get3A_102 = tpu.vector_load %arg7[%get3A_100, %get3A_101] {strides = array<i32>} : memref<512x56xf32, #tpu.memory_space<vmem>>, vector<16xf32>,
          %add3A_103 = arith.constant 0 : i32
          %add3A_104 = arith.addi %mul3A_99, %add3A_103 : i32
          %swap3A_105 = arith.index_cast %add3A_104 : i32 to index
          %swap3A_106 = tpu.vector_load %arg9[%swap3A_105] {strides = array<i32>} : memref<25600xf32, #tpu.memory_space<vmem>>, vector<16xf32>,
          tpu.vector_store %arg9[%swap3A_105], %get3A_102 {strides = array<i32>} : memref<25600xf32, #tpu.memory_space<vmem>>, vector<16xf32>,
          %get3A_107 = arith.index_cast %add3A_97 : i32 to index
          %get3A_108 = arith.constant 16 : index
          %get3A_109 = tpu.vector_load %arg7[%get3A_107, %get3A_108] {strides = array<i32>} : memref<512x56xf32, #tpu.memory_space<vmem>>, vector<16xf32>,
          %add3A_110 = arith.constant 16 : i32
          %add3A_111 = arith.addi %mul3A_99, %add3A_110 : i32
          %swap3A_112 = arith.index_cast %add3A_111 : i32 to index
          %swap3A_113 = tpu.vector_load %arg9[%swap3A_112] {strides = array<i32>} : memref<25600xf32, #tpu.memory_space<vmem>>, vector<16xf32>,
          tpu.vector_store %arg9[%swap3A_112], %get3A_109 {strides = array<i32>} : memref<25600xf32, #tpu.memory_space<vmem>>, vector<16xf32>,
          %get3A_114 = arith.index_cast %add3A_97 : i32 to index
          %get3A_115 = arith.constant 32 : index
          %get3A_116 = tpu.vector_load %arg7[%get3A_114, %get3A_115] {strides = array<i32>} : memref<512x56xf32, #tpu.memory_space<vmem>>, vector<16xf32>,
          %add3A_117 = arith.constant 32 : i32
          %add3A_118 = arith.addi %mul3A_99, %add3A_117 : i32
          %swap3A_119 = arith.index_cast %add3A_118 : i32 to index
          %swap3A_120 = tpu.vector_load %arg9[%swap3A_119] {strides = array<i32>} : memref<25600xf32, #tpu.memory_space<vmem>>, vector<16xf32>,
          tpu.vector_store %arg9[%swap3A_119], %get3A_116 {strides = array<i32>} : memref<25600xf32, #tpu.memory_space<vmem>>, vector<16xf32>,
          %get3A_121 = arith.index_cast %add3A_97 : i32 to index
          %get3A_122 = arith.constant 34 : index
          %get3A_123 = tpu.vector_load %arg7[%get3A_121, %get3A_122] {strides = array<i32>} : memref<512x56xf32, #tpu.memory_space<vmem>>, vector<16xf32>,
          %add3A_124 = arith.constant 34 : i32
          %add3A_125 = arith.addi %mul3A_99, %add3A_124 : i32
          %swap3A_126 = arith.index_cast %add3A_125 : i32 to index
          %swap3A_127 = tpu.vector_load %arg9[%swap3A_126] {strides = array<i32>} : memref<25600xf32, #tpu.memory_space<vmem>>, vector<16xf32>,
          tpu.vector_store %arg9[%swap3A_126], %get3A_123 {strides = array<i32>} : memref<25600xf32, #tpu.memory_space<vmem>>, vector<16xf32>,
          %mul3A_128 = arith.constant 4 : i32
          %mul3A_129 = arith.muli %scan3A_61, %mul3A_128 : i32
          %add3A_130 = arith.constant 2 : i32
          %add3A_131 = arith.addi %mul3A_129, %add3A_130 : i32
          %mul3A_132 = arith.constant 50 : i32
          %mul3A_133 = arith.muli %add3A_131, %mul3A_132 : i32
          %get3A_134 = arith.index_cast %add3A_131 : i32 to index
          %get3A_135 = arith.constant 0 : index
          %get3A_136 = tpu.vector_load %arg7[%get3A_134, %get3A_135] {strides = array<i32>} : memref<512x56xf32, #tpu.memory_space<vmem>>, vector<16xf32>,
          %add3A_137 = arith.constant 0 : i32
          %add3A_138 = arith.addi %mul3A_133, %add3A_137 : i32
          %swap3A_139 = arith.index_cast %add3A_138 : i32 to index
          %swap3A_140 = tpu.vector_load %arg9[%swap3A_139] {strides = array<i32>} : memref<25600xf32, #tpu.memory_space<vmem>>, vector<16xf32>,
          tpu.vector_store %arg9[%swap3A_139], %get3A_136 {strides = array<i32>} : memref<25600xf32, #tpu.memory_space<vmem>>, vector<16xf32>,
          %get3A_141 = arith.index_cast %add3A_131 : i32 to index
          %get3A_142 = arith.constant 16 : index
          %get3A_143 = tpu.vector_load %arg7[%get3A_141, %get3A_142] {strides = array<i32>} : memref<512x56xf32, #tpu.memory_space<vmem>>, vector<16xf32>,
          %add3A_144 = arith.constant 16 : i32
          %add3A_145 = arith.addi %mul3A_133, %add3A_144 : i32
          %swap3A_146 = arith.index_cast %add3A_145 : i32 to index
          %swap3A_147 = tpu.vector_load %arg9[%swap3A_146] {strides = array<i32>} : memref<25600xf32, #tpu.memory_space<vmem>>, vector<16xf32>,
          tpu.vector_store %arg9[%swap3A_146], %get3A_143 {strides = array<i32>} : memref<25600xf32, #tpu.memory_space<vmem>>, vector<16xf32>,
          %get3A_148 = arith.index_cast %add3A_131 : i32 to index
          %get3A_149 = arith.constant 32 : index
          %get3A_150 = tpu.vector_load %arg7[%get3A_148, %get3A_149] {strides = array<i32>} : memref<512x56xf32, #tpu.memory_space<vmem>>, vector<16xf32>,
          %add3A_151 = arith.constant 32 : i32
          %add3A_152 = arith.addi %mul3A_133, %add3A_151 : i32
          %swap3A_153 = arith.index_cast %add3A_152 : i32 to index
          %swap3A_154 = tpu.vector_load %arg9[%swap3A_153] {strides = array<i32>} : memref<25600xf32, #tpu.memory_space<vmem>>, vector<16xf32>,
          tpu.vector_store %arg9[%swap3A_153], %get3A_150 {strides = array<i32>} : memref<25600xf32, #tpu.memory_space<vmem>>, vector<16xf32>,
          %get3A_155 = arith.index_cast %add3A_131 : i32 to index
          %get3A_156 = arith.constant 34 : index
          %get3A_157 = tpu.vector_load %arg7[%get3A_155, %get3A_156] {strides = array<i32>} : memref<512x56xf32, #tpu.memory_space<vmem>>, vector<16xf32>,
          %add3A_158 = arith.constant 34 : i32
          %add3A_159 = arith.addi %mul3A_133, %add3A_158 : i32
          %swap3A_160 = arith.index_cast %add3A_159 : i32 to index
          %swap3A_161 = tpu.vector_load %arg9[%swap3A_160] {strides = array<i32>} : memref<25600xf32, #tpu.memory_space<vmem>>, vector<16xf32>,
          tpu.vector_store %arg9[%swap3A_160], %get3A_157 {strides = array<i32>} : memref<25600xf32, #tpu.memory_space<vmem>>, vector<16xf32>,
          %mul3A_162 = arith.constant 4 : i32
          %mul3A_163 = arith.muli %scan3A_61, %mul3A_162 : i32
          %add3A_164 = arith.constant 3 : i32
          %add3A_165 = arith.addi %mul3A_163, %add3A_164 : i32
          %mul3A_166 = arith.constant 50 : i32
          %mul3A_167 = arith.muli %add3A_165, %mul3A_166 : i32
          %get3A_168 = arith.index_cast %add3A_165 : i32 to index
          %get3A_169 = arith.constant 0 : index
          %get3A_170 = tpu.vector_load %arg7[%get3A_168, %get3A_169] {strides = array<i32>} : memref<512x56xf32, #tpu.memory_space<vmem>>, vector<16xf32>,
          %add3A_171 = arith.constant 0 : i32
          %add3A_172 = arith.addi %mul3A_167, %add3A_171 : i32
          %swap3A_173 = arith.index_cast %add3A_172 : i32 to index
          %swap3A_174 = tpu.vector_load %arg9[%swap3A_173] {strides = array<i32>} : memref<25600xf32, #tpu.memory_space<vmem>>, vector<16xf32>,
          tpu.vector_store %arg9[%swap3A_173], %get3A_170 {strides = array<i32>} : memref<25600xf32, #tpu.memory_space<vmem>>, vector<16xf32>,
          %get3A_175 = arith.index_cast %add3A_165 : i32 to index
          %get3A_176 = arith.constant 16 : index
          %get3A_177 = tpu.vector_load %arg7[%get3A_175, %get3A_176] {strides = array<i32>} : memref<512x56xf32, #tpu.memory_space<vmem>>, vector<16xf32>,
          %add3A_178 = arith.constant 16 : i32
          %add3A_179 = arith.addi %mul3A_167, %add3A_178 : i32
          %swap3A_180 = arith.index_cast %add3A_179 : i32 to index
          %swap3A_181 = tpu.vector_load %arg9[%swap3A_180] {strides = array<i32>} : memref<25600xf32, #tpu.memory_space<vmem>>, vector<16xf32>,
          tpu.vector_store %arg9[%swap3A_180], %get3A_177 {strides = array<i32>} : memref<25600xf32, #tpu.memory_space<vmem>>, vector<16xf32>,
          %get3A_182 = arith.index_cast %add3A_165 : i32 to index
          %get3A_183 = arith.constant 32 : index
          %get3A_184 = tpu.vector_load %arg7[%get3A_182, %get3A_183] {strides = array<i32>} : memref<512x56xf32, #tpu.memory_space<vmem>>, vector<16xf32>,
          %add3A_185 = arith.constant 32 : i32
          %add3A_186 = arith.addi %mul3A_167, %add3A_185 : i32
          %swap3A_187 = arith.index_cast %add3A_186 : i32 to index
          %swap3A_188 = tpu.vector_load %arg9[%swap3A_187] {strides = array<i32>} : memref<25600xf32, #tpu.memory_space<vmem>>, vector<16xf32>,
          tpu.vector_store %arg9[%swap3A_187], %get3A_184 {strides = array<i32>} : memref<25600xf32, #tpu.memory_space<vmem>>, vector<16xf32>,
          %get3A_189 = arith.index_cast %add3A_165 : i32 to index
          %get3A_190 = arith.constant 34 : index
          %get3A_191 = tpu.vector_load %arg7[%get3A_189, %get3A_190] {strides = array<i32>} : memref<512x56xf32, #tpu.memory_space<vmem>>, vector<16xf32>,
          %add3A_192 = arith.constant 34 : i32
          %add3A_193 = arith.addi %mul3A_167, %add3A_192 : i32
          %swap3A_194 = arith.index_cast %add3A_193 : i32 to index
          %swap3A_195 = tpu.vector_load %arg9[%swap3A_194] {strides = array<i32>} : memref<25600xf32, #tpu.memory_space<vmem>>, vector<16xf32>,
          tpu.vector_store %arg9[%swap3A_194], %get3A_191 {strides = array<i32>} : memref<25600xf32, #tpu.memory_space<vmem>>, vector<16xf32>,
        }
        %scan3A_49 = arith.constant 128 : i32
        %ge3A = arith.constant 2 : i32
        %ge3A_50 = arith.cmpi sge, %scan3A_26, %ge3A : i32
        %convert_element_type3A_51 = arith.extui %ge3A_50 : i1 to i32
        %cond3A_52 = arith.constant 0 : i32
        %cond3A_53 = arith.cmpi ne, %convert_element_type3A_51, %cond3A_52 : i32
        scf.if %cond3A_53 {
          %sub3A = arith.constant 2 : i32
          %sub3A_61 = arith.subi %scan3A_26, %sub3A : i32
          %mul3A_62 = arith.constant 512 : i32
          %mul3A_63 = arith.muli %sub3A_61, %mul3A_62 : i32
          %add3A_64 = arith.addi %mul3A_2, %mul3A_63 : i32
          %mul3A_65 = arith.constant 50 : i32
          %mul3A_66 = arith.muli %add3A_64, %mul3A_65 : i32
          %dma_wait3A_67 = tpu.memref_slice %arg4[%mul3A_66] : memref<163840000xf32, #tpu.memory_space<hbm>> -> memref<25600xf32, #tpu.memory_space<hbm>>
          %dma_wait3A_68 = tpu.memref_slice %arg4[%mul3A_66] : memref<163840000xf32, #tpu.memory_space<hbm>> -> memref<25600xf32, #tpu.memory_space<hbm>>
          tpu.wait_dma2 semaphore(%arg13 : memref<!tpu.dma_semaphore, #tpu.memory_space<semaphore_mem>>) src(%arg9 : memref<25600xf32, #tpu.memory_space<vmem>>) dst(%dma_wait3A_68 : memref<25600xf32, #tpu.memory_space<hbm>>)
        } else {
        }
        %mul3A_54 = arith.constant 512 : i32
        %mul3A_55 = arith.muli %scan3A_26, %mul3A_54 : i32
        %add3A_56 = arith.addi %mul3A_2, %mul3A_55 : i32
        %mul3A_57 = arith.constant 50 : i32
        %mul3A_58 = arith.muli %add3A_56, %mul3A_57 : i32
        %dma_start3A_59 = tpu.memref_slice %arg4[%mul3A_58] : memref<163840000xf32, #tpu.memory_space<hbm>> -> memref<25600xf32, #tpu.memory_space<hbm>>
        %dma_start3A_60 = tpu.memref_slice %arg4[%mul3A_58] : memref<163840000xf32, #tpu.memory_space<hbm>> -> memref<25600xf32, #tpu.memory_space<hbm>>
        tpu.enqueue_dma source(%arg9 : memref<25600xf32, #tpu.memory_space<vmem>>) target(%dma_start3A_60 : memref<25600xf32, #tpu.memory_space<hbm>>) target_semaphore(%arg13 : memref<!tpu.dma_semaphore, #tpu.memory_space<semaphore_mem>>)
      } else {
      }
      %eq3A_30 = arith.constant 1 : i32
      %eq3A_31 = arith.cmpi eq, %rem3A_27, %eq3A_30 : i32
      %convert_element_type3A_32 = arith.extui %eq3A_31 : i1 to i32
      %cond3A_33 = arith.constant 0 : i32
      %cond3A_34 = arith.cmpi ne, %convert_element_type3A_32, %cond3A_33 : i32
      scf.if %cond3A_34 {
        %dma_wait3A_35 = arith.constant 0 : i32
        %dma_wait3A_36 = arith.constant 0 : i32
        %dma_wait3A_37 = tpu.memref_slice %arg2[%dma_wait3A_35, %dma_wait3A_36] : memref<100001x56xf32, #tpu.memory_space<hbm>> -> memref<100001x56xf32, #tpu.memory_space<hbm>>
        tpu.wait_indirect_dma semaphore(%arg12 : memref<!tpu.dma_semaphore, #tpu.memory_space<semaphore_mem>>) src(%dma_wait3A_37 : memref<100001x56xf32, #tpu.memory_space<hbm>>) dst(%arg8 : memref<512x56xf32, #tpu.memory_space<vmem>>)
        %add3A_38 = arith.constant 1 : i32
        %add3A_39 = arith.addi %scan3A_26, %add3A_38 : i32
        %lt3A = arith.constant 200 : i32
        %lt3A_40 = arith.cmpi slt, %add3A_39, %lt3A : i32
        %convert_element_type3A_41 = arith.extui %lt3A_40 : i1 to i32
        %cond3A_42 = arith.constant 0 : i32
        %cond3A_43 = arith.cmpi ne, %convert_element_type3A_41, %cond3A_42 : i32
        scf.if %cond3A_43 {
          %add3A_61 = arith.constant 1 : i32
          %add3A_62 = arith.addi %scan3A_26, %add3A_61 : i32
          %mul3A_63 = arith.constant 512 : i32
          %mul3A_64 = arith.muli %add3A_62, %mul3A_63 : i32
          %add3A_65 = arith.addi %mul3A_2, %mul3A_64 : i32
          "tpu.region"() ({
            %run_scoped3A = tpu.sem_alloc : memref<!tpu.dma_semaphore, #tpu.memory_space<semaphore_mem>>
            %dma_start3A_69 = tpu.memref_slice %arg3[%add3A_65] : memref<3276800xi32, #tpu.memory_space<hbm>> -> memref<512xi32, #tpu.memory_space<hbm>>
            %dma_start3A_70 = tpu.memref_slice %arg3[%add3A_65] : memref<3276800xi32, #tpu.memory_space<hbm>> -> memref<512xi32, #tpu.memory_space<hbm>>
            tpu.enqueue_dma source(%dma_start3A_70 : memref<512xi32, #tpu.memory_space<hbm>>) target(%arg5 : memref<512xi32, #tpu.memory_space<vmem>>) target_semaphore(%run_scoped3A : memref<!tpu.dma_semaphore, #tpu.memory_space<semaphore_mem>>)
            %dma_wait3A_71 = tpu.memref_slice %arg3[%add3A_65] : memref<3276800xi32, #tpu.memory_space<hbm>> -> memref<512xi32, #tpu.memory_space<hbm>>
            %dma_wait3A_72 = tpu.memref_slice %arg3[%add3A_65] : memref<3276800xi32, #tpu.memory_space<hbm>> -> memref<512xi32, #tpu.memory_space<hbm>>
            tpu.wait_dma2 semaphore(%run_scoped3A : memref<!tpu.dma_semaphore, #tpu.memory_space<semaphore_mem>>) src(%dma_wait3A_72 : memref<512xi32, #tpu.memory_space<hbm>>) dst(%arg5 : memref<512xi32, #tpu.memory_space<vmem>>)
            tpu.yield
          }) : () -> ()
          %dma_start3A_66 = arith.constant 0 : i32
          %dma_start3A_67 = arith.constant 0 : i32
          %dma_start3A_68 = tpu.memref_slice %arg2[%dma_start3A_66, %dma_start3A_67] : memref<100001x56xf32, #tpu.memory_space<hbm>> -> memref<100001x56xf32, #tpu.memory_space<hbm>>
          tpu.enqueue_indirect_dma source(%dma_start3A_68 : memref<100001x56xf32, #tpu.memory_space<hbm>>) target(%arg7 : memref<512x56xf32, #tpu.memory_space<vmem>>) offsets(%arg5 : memref<512xi32, #tpu.memory_space<vmem>>) semaphore(%arg11 : memref<!tpu.dma_semaphore, #tpu.memory_space<semaphore_mem>>)
        } else {
        }
        %scan3A_44 = arith.constant 0 : i32
        %scan3A_45 = arith.constant 0 : i32
        %scan3A_46 = arith.constant 128 : i32
        %scan3A_47 = arith.addi %scan3A_45, %scan3A_46 : i32
        %scan3A_48 = arith.constant 1 : i32
        scf.for %scan3A_61 = %scan3A_45 to %scan3A_47 step %scan3A_48  : i32 {
          %mul3A_62 = arith.constant 4 : i32
          %mul3A_63 = arith.muli %scan3A_61, %mul3A_62 : i32
          %add3A_64 = arith.constant 0 : i32
          %add3A_65 = arith.addi %mul3A_63, %add3A_64 : i32
          %mul3A_66 = arith.constant 50 : i32
          %mul3A_67 = arith.muli %add3A_65, %mul3A_66 : i32
          %get3A = arith.index_cast %add3A_65 : i32 to index
          %get3A_68 = arith.constant 0 : index
          %get3A_69 = tpu.vector_load %arg8[%get3A, %get3A_68] {strides = array<i32>} : memref<512x56xf32, #tpu.memory_space<vmem>>, vector<16xf32>,
          %add3A_70 = arith.constant 0 : i32
          %add3A_71 = arith.addi %mul3A_67, %add3A_70 : i32
          %swap3A = arith.index_cast %add3A_71 : i32 to index
          %swap3A_72 = tpu.vector_load %arg10[%swap3A] {strides = array<i32>} : memref<25600xf32, #tpu.memory_space<vmem>>, vector<16xf32>,
          tpu.vector_store %arg10[%swap3A], %get3A_69 {strides = array<i32>} : memref<25600xf32, #tpu.memory_space<vmem>>, vector<16xf32>,
          %get3A_73 = arith.index_cast %add3A_65 : i32 to index
          %get3A_74 = arith.constant 16 : index
          %get3A_75 = tpu.vector_load %arg8[%get3A_73, %get3A_74] {strides = array<i32>} : memref<512x56xf32, #tpu.memory_space<vmem>>, vector<16xf32>,
          %add3A_76 = arith.constant 16 : i32
          %add3A_77 = arith.addi %mul3A_67, %add3A_76 : i32
          %swap3A_78 = arith.index_cast %add3A_77 : i32 to index
          %swap3A_79 = tpu.vector_load %arg10[%swap3A_78] {strides = array<i32>} : memref<25600xf32, #tpu.memory_space<vmem>>, vector<16xf32>,
          tpu.vector_store %arg10[%swap3A_78], %get3A_75 {strides = array<i32>} : memref<25600xf32, #tpu.memory_space<vmem>>, vector<16xf32>,
          %get3A_80 = arith.index_cast %add3A_65 : i32 to index
          %get3A_81 = arith.constant 32 : index
          %get3A_82 = tpu.vector_load %arg8[%get3A_80, %get3A_81] {strides = array<i32>} : memref<512x56xf32, #tpu.memory_space<vmem>>, vector<16xf32>,
          %add3A_83 = arith.constant 32 : i32
          %add3A_84 = arith.addi %mul3A_67, %add3A_83 : i32
          %swap3A_85 = arith.index_cast %add3A_84 : i32 to index
          %swap3A_86 = tpu.vector_load %arg10[%swap3A_85] {strides = array<i32>} : memref<25600xf32, #tpu.memory_space<vmem>>, vector<16xf32>,
          tpu.vector_store %arg10[%swap3A_85], %get3A_82 {strides = array<i32>} : memref<25600xf32, #tpu.memory_space<vmem>>, vector<16xf32>,
          %get3A_87 = arith.index_cast %add3A_65 : i32 to index
          %get3A_88 = arith.constant 34 : index
          %get3A_89 = tpu.vector_load %arg8[%get3A_87, %get3A_88] {strides = array<i32>} : memref<512x56xf32, #tpu.memory_space<vmem>>, vector<16xf32>,
          %add3A_90 = arith.constant 34 : i32
          %add3A_91 = arith.addi %mul3A_67, %add3A_90 : i32
          %swap3A_92 = arith.index_cast %add3A_91 : i32 to index
          %swap3A_93 = tpu.vector_load %arg10[%swap3A_92] {strides = array<i32>} : memref<25600xf32, #tpu.memory_space<vmem>>, vector<16xf32>,
          tpu.vector_store %arg10[%swap3A_92], %get3A_89 {strides = array<i32>} : memref<25600xf32, #tpu.memory_space<vmem>>, vector<16xf32>,
          %mul3A_94 = arith.constant 4 : i32
          %mul3A_95 = arith.muli %scan3A_61, %mul3A_94 : i32
          %add3A_96 = arith.constant 1 : i32
          %add3A_97 = arith.addi %mul3A_95, %add3A_96 : i32
          %mul3A_98 = arith.constant 50 : i32
          %mul3A_99 = arith.muli %add3A_97, %mul3A_98 : i32
          %get3A_100 = arith.index_cast %add3A_97 : i32 to index
          %get3A_101 = arith.constant 0 : index
          %get3A_102 = tpu.vector_load %arg8[%get3A_100, %get3A_101] {strides = array<i32>} : memref<512x56xf32, #tpu.memory_space<vmem>>, vector<16xf32>,
          %add3A_103 = arith.constant 0 : i32
          %add3A_104 = arith.addi %mul3A_99, %add3A_103 : i32
          %swap3A_105 = arith.index_cast %add3A_104 : i32 to index
          %swap3A_106 = tpu.vector_load %arg10[%swap3A_105] {strides = array<i32>} : memref<25600xf32, #tpu.memory_space<vmem>>, vector<16xf32>,
          tpu.vector_store %arg10[%swap3A_105], %get3A_102 {strides = array<i32>} : memref<25600xf32, #tpu.memory_space<vmem>>, vector<16xf32>,
          %get3A_107 = arith.index_cast %add3A_97 : i32 to index
          %get3A_108 = arith.constant 16 : index
          %get3A_109 = tpu.vector_load %arg8[%get3A_107, %get3A_108] {strides = array<i32>} : memref<512x56xf32, #tpu.memory_space<vmem>>, vector<16xf32>,
          %add3A_110 = arith.constant 16 : i32
          %add3A_111 = arith.addi %mul3A_99, %add3A_110 : i32
          %swap3A_112 = arith.index_cast %add3A_111 : i32 to index
          %swap3A_113 = tpu.vector_load %arg10[%swap3A_112] {strides = array<i32>} : memref<25600xf32, #tpu.memory_space<vmem>>, vector<16xf32>,
          tpu.vector_store %arg10[%swap3A_112], %get3A_109 {strides = array<i32>} : memref<25600xf32, #tpu.memory_space<vmem>>, vector<16xf32>,
          %get3A_114 = arith.index_cast %add3A_97 : i32 to index
          %get3A_115 = arith.constant 32 : index
          %get3A_116 = tpu.vector_load %arg8[%get3A_114, %get3A_115] {strides = array<i32>} : memref<512x56xf32, #tpu.memory_space<vmem>>, vector<16xf32>,
          %add3A_117 = arith.constant 32 : i32
          %add3A_118 = arith.addi %mul3A_99, %add3A_117 : i32
          %swap3A_119 = arith.index_cast %add3A_118 : i32 to index
          %swap3A_120 = tpu.vector_load %arg10[%swap3A_119] {strides = array<i32>} : memref<25600xf32, #tpu.memory_space<vmem>>, vector<16xf32>,
          tpu.vector_store %arg10[%swap3A_119], %get3A_116 {strides = array<i32>} : memref<25600xf32, #tpu.memory_space<vmem>>, vector<16xf32>,
          %get3A_121 = arith.index_cast %add3A_97 : i32 to index
          %get3A_122 = arith.constant 34 : index
          %get3A_123 = tpu.vector_load %arg8[%get3A_121, %get3A_122] {strides = array<i32>} : memref<512x56xf32, #tpu.memory_space<vmem>>, vector<16xf32>,
          %add3A_124 = arith.constant 34 : i32
          %add3A_125 = arith.addi %mul3A_99, %add3A_124 : i32
          %swap3A_126 = arith.index_cast %add3A_125 : i32 to index
          %swap3A_127 = tpu.vector_load %arg10[%swap3A_126] {strides = array<i32>} : memref<25600xf32, #tpu.memory_space<vmem>>, vector<16xf32>,
          tpu.vector_store %arg10[%swap3A_126], %get3A_123 {strides = array<i32>} : memref<25600xf32, #tpu.memory_space<vmem>>, vector<16xf32>,
          %mul3A_128 = arith.constant 4 : i32
          %mul3A_129 = arith.muli %scan3A_61, %mul3A_128 : i32
          %add3A_130 = arith.constant 2 : i32
          %add3A_131 = arith.addi %mul3A_129, %add3A_130 : i32
          %mul3A_132 = arith.constant 50 : i32
          %mul3A_133 = arith.muli %add3A_131, %mul3A_132 : i32
          %get3A_134 = arith.index_cast %add3A_131 : i32 to index
          %get3A_135 = arith.constant 0 : index
          %get3A_136 = tpu.vector_load %arg8[%get3A_134, %get3A_135] {strides = array<i32>} : memref<512x56xf32, #tpu.memory_space<vmem>>, vector<16xf32>,
          %add3A_137 = arith.constant 0 : i32
          %add3A_138 = arith.addi %mul3A_133, %add3A_137 : i32
          %swap3A_139 = arith.index_cast %add3A_138 : i32 to index
          %swap3A_140 = tpu.vector_load %arg10[%swap3A_139] {strides = array<i32>} : memref<25600xf32, #tpu.memory_space<vmem>>, vector<16xf32>,
          tpu.vector_store %arg10[%swap3A_139], %get3A_136 {strides = array<i32>} : memref<25600xf32, #tpu.memory_space<vmem>>, vector<16xf32>,
          %get3A_141 = arith.index_cast %add3A_131 : i32 to index
          %get3A_142 = arith.constant 16 : index
          %get3A_143 = tpu.vector_load %arg8[%get3A_141, %get3A_142] {strides = array<i32>} : memref<512x56xf32, #tpu.memory_space<vmem>>, vector<16xf32>,
          %add3A_144 = arith.constant 16 : i32
          %add3A_145 = arith.addi %mul3A_133, %add3A_144 : i32
          %swap3A_146 = arith.index_cast %add3A_145 : i32 to index
          %swap3A_147 = tpu.vector_load %arg10[%swap3A_146] {strides = array<i32>} : memref<25600xf32, #tpu.memory_space<vmem>>, vector<16xf32>,
          tpu.vector_store %arg10[%swap3A_146], %get3A_143 {strides = array<i32>} : memref<25600xf32, #tpu.memory_space<vmem>>, vector<16xf32>,
          %get3A_148 = arith.index_cast %add3A_131 : i32 to index
          %get3A_149 = arith.constant 32 : index
          %get3A_150 = tpu.vector_load %arg8[%get3A_148, %get3A_149] {strides = array<i32>} : memref<512x56xf32, #tpu.memory_space<vmem>>, vector<16xf32>,
          %add3A_151 = arith.constant 32 : i32
          %add3A_152 = arith.addi %mul3A_133, %add3A_151 : i32
          %swap3A_153 = arith.index_cast %add3A_152 : i32 to index
          %swap3A_154 = tpu.vector_load %arg10[%swap3A_153] {strides = array<i32>} : memref<25600xf32, #tpu.memory_space<vmem>>, vector<16xf32>,
          tpu.vector_store %arg10[%swap3A_153], %get3A_150 {strides = array<i32>} : memref<25600xf32, #tpu.memory_space<vmem>>, vector<16xf32>,
          %get3A_155 = arith.index_cast %add3A_131 : i32 to index
          %get3A_156 = arith.constant 34 : index
          %get3A_157 = tpu.vector_load %arg8[%get3A_155, %get3A_156] {strides = array<i32>} : memref<512x56xf32, #tpu.memory_space<vmem>>, vector<16xf32>,
          %add3A_158 = arith.constant 34 : i32
          %add3A_159 = arith.addi %mul3A_133, %add3A_158 : i32
          %swap3A_160 = arith.index_cast %add3A_159 : i32 to index
          %swap3A_161 = tpu.vector_load %arg10[%swap3A_160] {strides = array<i32>} : memref<25600xf32, #tpu.memory_space<vmem>>, vector<16xf32>,
          tpu.vector_store %arg10[%swap3A_160], %get3A_157 {strides = array<i32>} : memref<25600xf32, #tpu.memory_space<vmem>>, vector<16xf32>,
          %mul3A_162 = arith.constant 4 : i32
          %mul3A_163 = arith.muli %scan3A_61, %mul3A_162 : i32
          %add3A_164 = arith.constant 3 : i32
          %add3A_165 = arith.addi %mul3A_163, %add3A_164 : i32
          %mul3A_166 = arith.constant 50 : i32
          %mul3A_167 = arith.muli %add3A_165, %mul3A_166 : i32
          %get3A_168 = arith.index_cast %add3A_165 : i32 to index
          %get3A_169 = arith.constant 0 : index
          %get3A_170 = tpu.vector_load %arg8[%get3A_168, %get3A_169] {strides = array<i32>} : memref<512x56xf32, #tpu.memory_space<vmem>>, vector<16xf32>,
          %add3A_171 = arith.constant 0 : i32
          %add3A_172 = arith.addi %mul3A_167, %add3A_171 : i32
          %swap3A_173 = arith.index_cast %add3A_172 : i32 to index
          %swap3A_174 = tpu.vector_load %arg10[%swap3A_173] {strides = array<i32>} : memref<25600xf32, #tpu.memory_space<vmem>>, vector<16xf32>,
          tpu.vector_store %arg10[%swap3A_173], %get3A_170 {strides = array<i32>} : memref<25600xf32, #tpu.memory_space<vmem>>, vector<16xf32>,
          %get3A_175 = arith.index_cast %add3A_165 : i32 to index
          %get3A_176 = arith.constant 16 : index
          %get3A_177 = tpu.vector_load %arg8[%get3A_175, %get3A_176] {strides = array<i32>} : memref<512x56xf32, #tpu.memory_space<vmem>>, vector<16xf32>,
          %add3A_178 = arith.constant 16 : i32
          %add3A_179 = arith.addi %mul3A_167, %add3A_178 : i32
          %swap3A_180 = arith.index_cast %add3A_179 : i32 to index
          %swap3A_181 = tpu.vector_load %arg10[%swap3A_180] {strides = array<i32>} : memref<25600xf32, #tpu.memory_space<vmem>>, vector<16xf32>,
          tpu.vector_store %arg10[%swap3A_180], %get3A_177 {strides = array<i32>} : memref<25600xf32, #tpu.memory_space<vmem>>, vector<16xf32>,
          %get3A_182 = arith.index_cast %add3A_165 : i32 to index
          %get3A_183 = arith.constant 32 : index
          %get3A_184 = tpu.vector_load %arg8[%get3A_182, %get3A_183] {strides = array<i32>} : memref<512x56xf32, #tpu.memory_space<vmem>>, vector<16xf32>,
          %add3A_185 = arith.constant 32 : i32
          %add3A_186 = arith.addi %mul3A_167, %add3A_185 : i32
          %swap3A_187 = arith.index_cast %add3A_186 : i32 to index
          %swap3A_188 = tpu.vector_load %arg10[%swap3A_187] {strides = array<i32>} : memref<25600xf32, #tpu.memory_space<vmem>>, vector<16xf32>,
          tpu.vector_store %arg10[%swap3A_187], %get3A_184 {strides = array<i32>} : memref<25600xf32, #tpu.memory_space<vmem>>, vector<16xf32>,
          %get3A_189 = arith.index_cast %add3A_165 : i32 to index
          %get3A_190 = arith.constant 34 : index
          %get3A_191 = tpu.vector_load %arg8[%get3A_189, %get3A_190] {strides = array<i32>} : memref<512x56xf32, #tpu.memory_space<vmem>>, vector<16xf32>,
          %add3A_192 = arith.constant 34 : i32
          %add3A_193 = arith.addi %mul3A_167, %add3A_192 : i32
          %swap3A_194 = arith.index_cast %add3A_193 : i32 to index
          %swap3A_195 = tpu.vector_load %arg10[%swap3A_194] {strides = array<i32>} : memref<25600xf32, #tpu.memory_space<vmem>>, vector<16xf32>,
          tpu.vector_store %arg10[%swap3A_194], %get3A_191 {strides = array<i32>} : memref<25600xf32, #tpu.memory_space<vmem>>, vector<16xf32>,
        }
        %scan3A_49 = arith.constant 128 : i32
        %ge3A = arith.constant 2 : i32
        %ge3A_50 = arith.cmpi sge, %scan3A_26, %ge3A : i32
        %convert_element_type3A_51 = arith.extui %ge3A_50 : i1 to i32
        %cond3A_52 = arith.constant 0 : i32
        %cond3A_53 = arith.cmpi ne, %convert_element_type3A_51, %cond3A_52 : i32
        scf.if %cond3A_53 {
          %sub3A = arith.constant 2 : i32
          %sub3A_61 = arith.subi %scan3A_26, %sub3A : i32
          %mul3A_62 = arith.constant 512 : i32
          %mul3A_63 = arith.muli %sub3A_61, %mul3A_62 : i32
          %add3A_64 = arith.addi %mul3A_2, %mul3A_63 : i32
          %mul3A_65 = arith.constant 50 : i32
          %mul3A_66 = arith.muli %add3A_64, %mul3A_65 : i32
          %dma_wait3A_67 = tpu.memref_slice %arg4[%mul3A_66] : memref<163840000xf32, #tpu.memory_space<hbm>> -> memref<25600xf32, #tpu.memory_space<hbm>>
          %dma_wait3A_68 = tpu.memref_slice %arg4[%mul3A_66] : memref<163840000xf32, #tpu.memory_space<hbm>> -> memref<25600xf32, #tpu.memory_space<hbm>>
          tpu.wait_dma2 semaphore(%arg14 : memref<!tpu.dma_semaphore, #tpu.memory_space<semaphore_mem>>) src(%arg10 : memref<25600xf32, #tpu.memory_space<vmem>>) dst(%dma_wait3A_68 : memref<25600xf32, #tpu.memory_space<hbm>>)
        } else {
        }
        %mul3A_54 = arith.constant 512 : i32
        %mul3A_55 = arith.muli %scan3A_26, %mul3A_54 : i32
        %add3A_56 = arith.addi %mul3A_2, %mul3A_55 : i32
        %mul3A_57 = arith.constant 50 : i32
        %mul3A_58 = arith.muli %add3A_56, %mul3A_57 : i32
        %dma_start3A_59 = tpu.memref_slice %arg4[%mul3A_58] : memref<163840000xf32, #tpu.memory_space<hbm>> -> memref<25600xf32, #tpu.memory_space<hbm>>
        %dma_start3A_60 = tpu.memref_slice %arg4[%mul3A_58] : memref<163840000xf32, #tpu.memory_space<hbm>> -> memref<25600xf32, #tpu.memory_space<hbm>>
        tpu.enqueue_dma source(%arg10 : memref<25600xf32, #tpu.memory_space<vmem>>) target(%dma_start3A_60 : memref<25600xf32, #tpu.memory_space<hbm>>) target_semaphore(%arg14 : memref<!tpu.dma_semaphore, #tpu.memory_space<semaphore_mem>>)
      } else {
      }
    }
    %scan3A_14 = arith.constant 200 : i32
    %add3A_15 = arith.constant 101376 : i32
    %add3A_16 = arith.addi %mul3A_2, %add3A_15 : i32
    %mul3A_17 = arith.constant 50 : i32
    %mul3A_18 = arith.muli %add3A_16, %mul3A_17 : i32
    %dma_wait3A = tpu.memref_slice %arg4[%mul3A_18] : memref<163840000xf32, #tpu.memory_space<hbm>> -> memref<25600xf32, #tpu.memory_space<hbm>>
    %dma_wait3A_19 = tpu.memref_slice %arg4[%mul3A_18] : memref<163840000xf32, #tpu.memory_space<hbm>> -> memref<25600xf32, #tpu.memory_space<hbm>>
    tpu.wait_dma2 semaphore(%arg13 : memref<!tpu.dma_semaphore, #tpu.memory_space<semaphore_mem>>) src(%arg9 : memref<25600xf32, #tpu.memory_space<vmem>>) dst(%dma_wait3A_19 : memref<25600xf32, #tpu.memory_space<hbm>>)
    %add3A_20 = arith.constant 101888 : i32
    %add3A_21 = arith.addi %mul3A_2, %add3A_20 : i32
    %mul3A_22 = arith.constant 50 : i32
    %mul3A_23 = arith.muli %add3A_21, %mul3A_22 : i32
    %dma_wait3A_24 = tpu.memref_slice %arg4[%mul3A_23] : memref<163840000xf32, #tpu.memory_space<hbm>> -> memref<25600xf32, #tpu.memory_space<hbm>>
    %dma_wait3A_25 = tpu.memref_slice %arg4[%mul3A_23] : memref<163840000xf32, #tpu.memory_space<hbm>> -> memref<25600xf32, #tpu.memory_space<hbm>>
    tpu.wait_dma2 semaphore(%arg14 : memref<!tpu.dma_semaphore, #tpu.memory_space<semaphore_mem>>) src(%arg10 : memref<25600xf32, #tpu.memory_space<vmem>>) dst(%dma_wait3A_25 : memref<25600xf32, #tpu.memory_space<hbm>>)
    return
  }
}

</mosaic_0001>

<sc_bundles>
// kernel: kernel.3.cloned.1.call-start
scs
__scs_entry_jumppad:
0x0: {  	(pc) =	sbr.rel $0x88, $3  }
0x1: {  	(tag) =	ssettag $0x0;
	lr =	simm.s32 $0x1  }
0x2: {  	[smem:$0x3F9F] =	sst lr;
	_ =	strace $0xD0000000  }
0x3: {  	_ = 	snop  }
0x4: {  	_ = 	snop  }
0x5: {  	_ = 	snop  }
0x6: {  	_ = 	snop  }
0x7: {  	_ = 	snop  }
__scs_overlays_trampoline_lowered:
0x8: {  	[smem:$0x3FAE] =	sst s0  }
0x9: {  	[smem:$0x3FAF] =	sst s1  }
0xa: {  	[smem:$0x3FB0] =	sst s2  }
0xb: {  	[smem:$0x3FB1] =	sst s3  }
0xc: {  	[smem:$0x3FB2] =	sst s4  }
0xd: {  	[smem:$0x3FB3] =	sst s5  }
0xe: {  	[smem:$0x3FB4] =	sst s6  }
0xf: {  	[smem:$0x3FB5] =	sst s7  }
0x10: {  	[smem:$0x3FB6] =	sst s8  }
0x11: {  	[smem:$0x3FB7] =	sst s9;
	s0 =	simm.s32 @!p0 $0x0  }
0x12: {  	s1 =	sld [smem:$0x3F9D];
	s0 =	simm.s32 @p0 $0x1  }
0x13: {  	[smem:$0x3FB8] =	sst s0;
	s0 =	simm.s32 @!p1 $0x0  }
0x14: {  	s2 =	sld [smem:$0x3F9C];
	s0 =	simm.s32 @p1 $0x1  }
0x15: {  	[smem:$0x3FB9] =	sst s0;
	s0 =	simm.s32 @!p2 $0x0  }
0x16: {  	s3 =	sld [smem:$0x3FDB];
	s0 =	simm.s32 @p2 $0x1  }
0x17: {  	s4 =	simm.s32 $0x1BF5;
	[smem:$0x3FBB] =	sst s0  }
0x18: {  	s0 =	sld [smem:$0x3F9E];
	_ =	swait.ge [sflag:s4], $0x0  }
0x19: {  	s7 =	sld [smem:$0x3F9F]  }
0x1a: {  	s8 =	sadd.s32 $0xFFFFE003, lr  }
0x1b: {  	s9 =	sadd.s32 $0xFFFFFEF7, lr;
	s5 =	simm.s32 $0xFFFFFFFF;
	p2 =	slt.u32 s8, $0xFFFFF086  }
0x1c: {  	p1 =	slt.u32 s9, $0xF7A;
	s5 =	simm.s32 @!p2 $0x0  }
0x1d: {  	s5 =	simm.s32 @p1 $0x1;
	p0 =	seq.s32 s7, s2  }
0x1e: {  	s7 =	smul.u32 @!p0 $0xF7A, s2;
	p2 =	seq.s32 @!p0 s5, $0x0  }
0x1f: {  	s9 =	smul.u32 $0xF7A, s1;
	s8 =	simm.s32 @!p0 $0x1BF5;
	p2 =	por !p2, p0  }
0x20: {  	[sflag:s8] =	ssyncset.s32 @!p0 $0xFFFFF086;
	s6 =	sadd.s32 @!p0 s3, s7;
	s7 =	simm.s32 @!p0 $0x108  }
0x21: {  	s3 =	sadd.s32 s3, s9;
	s6 =	sadd.s32 @!p0 $0x88, s6;
	s7 =	simm.s32 @p2 $0x1082  }
0x22: {  	[simem:s7], [sflag:s8] =	dma.local @!p0 [hbm:s6], $0xF7A  }
0x23: {  	s9 =	sor.u32 $0xD0000000, s2;
	s6 =	simm.s32 $0x108;
	_ =	swait.ge @!p0 [sflag:s8], $0x0  }
0x24: {  	s3 =	sadd.s32 $0x88, s3;
	s6 =	simm.s32 @!p1 $0x1082;
	[sflag:s4] =	ssyncset.s32 $0xFFFFF086  }
0x25: {  	[simem:s6], [sflag:s4] =	dma.local [hbm:s3], $0xF7A  }
0x26: {  	[smem:$0x3F9F] =	sst s1;
	(tag) =	ssettag s2;
	_ =	strace s9  }
0x27: {  	s1 =	sld [smem:$0x3FAF]  }
0x28: {  	s2 =	sld [smem:$0x3FB0]  }
0x29: {  	s4 =	sld [smem:$0x3FB2]  }
0x2a: {  	p0 =	seq.s32 s5, $0x0;
	s5 =	sld [smem:$0x3FB3]  }
0x2b: {  	s6 =	sld [smem:$0x3FB4]  }
0x2c: {  	s7 =	sld [smem:$0x3FB5]  }
0x2d: {  	s3 =	simm.s32 $0x108;
	s8 =	sld [smem:$0x3FB6]  }
0x2e: {  	s3 =	simm.s32 @!p0 $0x1082;
	s9 =	sld [smem:$0x3FB7]  }
0x2f: {  	lr =	sadd.s32 s0, s3;
	s0 =	sld [smem:$0x3FAE]  }
0x30: {  	s3 =	sld [smem:$0x3FB1]  }
0x31: {  	[smem:$0x3FBA] =	sst s10  }
0x32: {  	s10 =	sld [smem:$0x3FB8];
	_ =	sdelay $0x3  }
0x33: {  	p0 =	seq.s32 s10, $0x1;
	s10 =	sld [smem:$0x3FBA];
	_ =	sdelay $0x3  }
0x34: {  	[smem:$0x3FBA] =	sst s10  }
0x35: {  	s10 =	sld [smem:$0x3FB9];
	_ =	sdelay $0x3  }
0x36: {  	p1 =	seq.s32 s10, $0x1;
	s10 =	sld [smem:$0x3FBA];
	_ =	sdelay $0x3  }
0x37: {  	[smem:$0x3FBA] =	sst s10  }
0x38: {  	s10 =	sld [smem:$0x3FBB]  }
0x39: {  	_ = 	snop;
	(pc) =	sbr.ind lr, $3  }
0x3a: {  	_ = 	snop  }
0x3b: {  	_ = 	snop  }
0x3c: {  	p2 =	seq.s32 s10, $0x1;
	s10 =	sld [smem:$0x3FBA]  }
0x3d: {  	_ =	shalt  }
0x3e: {  	_ =	shalt  }
0x3f: {  	_ =	shalt  }
0x40: {  	_ =	shalt  }
0x41: {  	_ =	shalt  }
0x42: {  	_ =	shalt  }
0x43: {  	_ =	shalt  }
0x44: {  	_ =	shalt  }
0x45: {  	_ =	shalt  }
0x46: {  	_ =	shalt  }
0x47: {  	_ =	shalt  }
0x48: {  	_ =	shalt  }
0x49: {  	_ =	shalt  }
0x4a: {  	_ =	shalt  }
0x4b: {  	_ =	shalt  }
0x4c: {  	_ =	shalt  }
0x4d: {  	_ =	shalt  }
0x4e: {  	_ =	shalt  }
0x4f: {  	_ =	shalt  }
0x50: {  	_ =	shalt  }
0x51: {  	_ =	shalt  }
0x52: {  	_ =	shalt  }
0x53: {  	_ =	shalt  }
0x54: {  	_ =	shalt  }
0x55: {  	_ =	shalt  }
0x56: {  	_ =	shalt  }
0x57: {  	_ =	shalt  }
0x58: {  	_ =	shalt  }
0x59: {  	_ =	shalt  }
0x5a: {  	_ =	shalt  }
0x5b: {  	_ =	shalt  }
0x5c: {  	_ =	shalt  }
0x5d: {  	_ =	shalt  }
0x5e: {  	_ =	shalt  }
0x5f: {  	_ =	shalt  }
0x60: {  	_ =	shalt  }
0x61: {  	_ =	shalt  }
0x62: {  	_ =	shalt  }
0x63: {  	_ =	shalt  }
0x64: {  	_ =	shalt  }
0x65: {  	_ =	shalt  }
0x66: {  	_ =	shalt  }
0x67: {  	_ =	shalt  }
0x68: {  	_ =	shalt  }
0x69: {  	_ =	shalt  }
0x6a: {  	_ =	shalt  }
0x6b: {  	_ =	shalt  }
0x6c: {  	_ =	shalt  }
0x6d: {  	_ =	shalt  }
0x6e: {  	_ =	shalt  }
0x6f: {  	_ =	shalt  }
0x70: {  	_ =	shalt  }
0x71: {  	_ =	shalt  }
0x72: {  	_ =	shalt  }
0x73: {  	_ =	shalt  }
0x74: {  	_ =	shalt  }
0x75: {  	_ =	shalt  }
0x76: {  	_ =	shalt  }
0x77: {  	_ =	shalt  }
0x78: {  	_ =	shalt  }
0x79: {  	_ =	shalt  }
0x7a: {  	_ =	shalt  }
0x7b: {  	_ =	shalt  }
0x7c: {  	_ =	shalt  }
0x7d: {  	_ =	shalt  }
0x7e: {  	_ =	shalt  }
0x7f: {  	_ =	shalt  }
0x80: {  	_ =	shalt  }
0x81: {  	_ =	shalt  }
0x82: {  	_ =	shalt  }
0x83: {  	_ =	shalt  }
0x84: {  	_ =	shalt  }
0x85: {  	_ =	shalt  }
0x86: {  	_ =	shalt  }
0x87: {  	_ =	shalt  }
.Lfunc_end0:
.L_simem_size_0:
called_computation.1_lowered:
.L_overlay_start_0:
0x88: {  	s2 =	sld [smem:$0x3FD9]  }
0x89: {  	s3 =	sld [smem:$0x3FFE];
	_ =	sdelay $0x1  }
0x8a: {  	s1 =	srdreg.scid  }
0x8b: {  	s0 =	sand.u32 $0x1, s1  }
0x8c: {  	s17 =	sshll.u32 s0, $0xA;
	s2 =	sadd.s32 s3, s2  }
0x8d: {  	s2 =	sadd.s32 s2, s17  }
0x8e: {  	[smem:$0x3FC6] =	sst s2  }
0x8f: {  	_ = 	snop  }
0x90: {  	s2 =	sld [smem:$0x3FD0];
	(tm) =	ssettm $0x1  }
0x91: {  	s18 =	sld [smem:$0x3FFB];
	_ =	sdelay $0x3  }
0x92: {  	_ =	strace s18  }
0x93: {  	s3 =	sld [smem:$0x3FFC];
	_ =	sdelay $0x3  }
0x94: {  	_ =	strace s3  }
0x95: {  	s3 =	sld [smem:$0x3FFD];
	_ =	sdelay $0x3  }
0x96: {  	_ =	strace s3  }
0x97: {  	_ =	strace $0x8FFFFFFF  }
0x98: {  	s19 =	sld [smem:$0x3FDB];
	_ =	sdelay $0x1  }
0x99: {  	s4 =	simm.s32 $_scs_section_size  }
0x9a: {  	s5 =	simm.s32 $_size__tile_overlayer_lowered;
	s6 =	simm.s32 $_tile_overlayer_lowered  }
0x9b: {  	s22 =	simm.s32 $0x1BFF;
	s21 =	sshll.u32 s6, $0x1;
	s3 =	sadd.s32 s4, s19  }
0x9c: {  	s7 =	simm.s32 $0x0;
	s20 =	sshll.u32 s5, $0x1;
	s5 =	sadd.s32 s21, s3  }
0x9d: {  	[timem:s7], [sflag:s22] =	dma.local [hbm:s5], s20  }
0x9e: {  	_ =	swait.ge [sflag:s22], s20  }
0x9f: {  	s4 =	ssub.s32 $0x0, s20;
	[sflag:s22] =	ssyncset.done $0x0  }
0xa0: {  	[sflag:s22] =	ssyncadd.s32 s4;
	_ =	sdelay $0x1  }
0xa1: {  	s23 =	simm.s32 $0x1B8B  }
0xa2: {  	_ =	swait.ge [sflag:s23], $0x1  }
0xa3: {  	[sflag:s23] =	ssyncset.done $0x0  }
0xa4: {  	s25 =	simm.s32 $0x1B8E;
	s24 =	sld [smem:$0x3FFE];
	[sflag:s23] =	ssyncadd.s32 $0xFFFFFFFF  }
0xa5: {  	s26 =	simm.s32 $execute0_lowered;
	[smem:$0x3FD2] =	sst s25  }
0xa6: {  	s5 =	sshll.u32 s26, $0x1;
	_ =	strace $0x80000046;
	[dreg:$0x1] =	wrdreg $0xFFFFFFFF  }
0xa7: {  	s28 =	simm.s32 $_size_execute0_lowered;
	s3 =	sadd.s32 s3, s5;
	[dreg:$0x0] =	wrdreg $0x0  }
0xa8: {  	s5 =	sshll.u32 s28, $0x1;
	[dreg:$0x2] =	wrdreg s3  }
0xa9: {  	[dreg:$0x3] =	wrdreg s5  }
0xaa: {  	[dreg:$0x4] =	wrdreg $0xC0  }
0xab: {  	_ =	task [dreg:s7], $0x5FFFF  }
0xac: {  	[dreg:$0x1] =	wrdreg $0xFFFFFFFF  }
0xad: {  	[dreg:$0x0] =	wrdreg $0x60  }
0xae: {  	[dreg:$0x2] =	wrdreg s24  }
0xaf: {  	[dreg:$0x3] =	wrdreg s2  }
0xb0: {  	[dreg:$0x4] =	wrdreg $0x9  }
0xb1: {  	_ =	task.clear_ibuf [dreg:s7], $0x5FFFF;
	_ =	strace $0x90000046  }
0xb2: {  	s29 =	simm.s32 $0x9;
	_ =	strace $0x80000048  }
0xb3: {  	_ =	swait.ge [sflag:s29], $0x1  }
0xb4: {  	[sflag:s29] =	ssyncadd.s32 $0xFFFFFFFF  }
0xb5: {  	_ =	strace $0x90000048  }
0xb6: {  	_ =	sfence  }
0xb7: {  	s30 =	sld [smem:$0x0];
	_ =	sdelay $0x2  }
0xb8: {  	s31 =	sshll.u32 s1, $0xD;
	s1 =	sshrl.u32 s1, $0x2  }
0xb9: {  	s3 =	sand.u32 $0x4000, s31;
	s1 =	sadd.s32 s1, s30  }
0xba: {  	s0 =	sor.u32 s3, s0;
	s1 =	sshll.u32 s1, $0x11  }
0xbb: {  	s0 =	sor.u32 s1, s0  }
0xbc: {  	s0 =	sadd.s32 $0x8F2B, s0  }
0xbd: {  	[sflag:s0] =	ssyncadd.remote.s32 $0x1  }
0xbe: {  	_ =	sfence.sel $0xFFFF  }
0xbf: {  	[dreg:$0x0] =	wrdreg $0xFFFFFFFF;
	(pc) =	sbr.abs _section_cstart, $3  }
0xc0: {  	[dreg:$0x1] =	wrdreg $0xFFFFFFFF  }
0xc1: {  	_ =	task.clear_ibuf [dreg:s7], $0x2FFFF;
	_ =	strace $0x9FFFFFFF  }
0xc2: {  	(tm) =	ssettm $0x7FFFFFFF  }
0xc3: {  	_ =	shalt  }
tec
execute0_lowered:
.L_overlay_start_1:
0x0: {  	(tag) =	ssettag $0x1  }
0x1: {  	s6 =	rddreg [dreg:$0x0]  }
0x2: {  	s1 =	srdreg.scid;
	s0 =	stileid.u32  }
0x3: {  	s2 =	rddreg [dreg:$0x1];
	s3 =	simm.s32 $0x0;
	s11 =	simm.s32 $0x200  }
0x4: {  	s12 =	simm.s32 $0x400;
	s13 =	simm.s32 $0x2;
	s14 =	simm.s32 $0x14800  }
0x5: {  	s15 =	simm.s32 $0x3;
	s16 =	simm.s32 $0x4;
	s17 =	simm.s32 $0x1  }
0x6: {  	s18 =	simm.s32 $0x7400;
	s19 =	simm.s32 $0xE400;
	s20 =	simm.s32 $0x0  }
0x7: {  	s7 =	sand.u32 $0x1, s1;
	s4 =	sshll.u32 s0, $0x1;
	s1 =	rddreg [dreg:$0x2]  }
.Ltmp0:
0x8: {  	[smem:$0x7FF] =	sst s3;
	s4 =	sor.u32 s7, s4;
	(pc) =	sbr.rel .LBB2_1-.Ltmp0, $4  }
0x9: {  	s5 =	sadd.s32 $0x1EB400, s6;
	s7 =	ssub.s32 $0x2, s7;
	s4 =	smul.u32 $0x19000, s4  }
0xa: {  	s6 =	sadd.s32 $0x800, s6;
	_ =	strace $0x80000047;
	s8 =	sshrl.u32 s7, $0x1  }
0xb: {  	s10 =	ssub.s32 s7, s8;
	s9 =	sshrl.u32 s4, $0x3;
	s8 =	sor.u32 $0x200, s4  }
0xc: {  	s7 =	sadd.s32 s6, s9;
	s9 =	smax.u32 s10, $0x1;
	s10 =	simm.s32 $0x5  }
.LBB2_10:
0xd: {  	s20 =	sadd.s32 $0x1, s20  }
0xe: {  	_ =	swait.ge [sflag:s15], $0x6400;
	p0 =	sne.s32 s20, s9  }
.Ltmp1:
0xf: {  	[sflag:s15] =	ssyncset.done $0x0;
	(pc) =	sbr.rel @!p0 .LBB2_11-.Ltmp1, $4  }
0x10: {  	[sflag:s15] =	ssyncadd.s32 $0xFFFF9C00  }
0x11: {  	_ =	swait.ge [sflag:s16], $0x6400  }
0x12: {  	[sflag:s16] =	ssyncset.done $0x0  }
0x13: {  	[sflag:s16] =	ssyncadd.s32 $0xFFFF9C00  }
.LBB2_1:
0x14: {  	[tilespmem:s3], [sflag:$0x5] =	stream.linear.gather [hbm4b:s7+s3], $0x200, $0x38;
	[tilespmem:$0x1AC00] =	vst v63  }
.Ltmp2:
0x15: {  	_ = 	snop;
	(pc) =	sbr.rel .LBB2_2-.Ltmp2, $4  }
0x16: {  	_ =	swait.ge [sflag:s10], $0x200  }
0x17: {  	[sflag:s10] =	ssyncset.done $0x0  }
0x18: {  	s21 =	simm.s32 $0x0;
	[sflag:s10] =	ssyncadd.s32 $0xFFFFFE00  }
0x19: {  	[tilespmem:s12], [sflag:$0x1] =	stream.indirect.gather [hbm4b:s5+s11], $0x38, s3, s11, $0xb8;
	[tilespmem:$0x1AC00] =	vst v63  }
.LBB2_5:
0x1a: {  	s24 =	sshra.s32 s24, $0x2  }
0x1b: {  	[tilespmem:s24+$0xE348] =	vst v0  }
0x1c: {  	v0 =	vld [tilespmem:s23+$0xFFFFFFA0];
	_ =	sdelay $0x4  }
0x1d: {  	[tilespmem:s24+$0xE358] =	vst v0  }
0x1e: {  	v0 =	vld [tilespmem:s23+$0xFFFFFFB0];
	_ =	sdelay $0x4  }
0x1f: {  	[tilespmem:s24+$0xE368] =	vst v0  }
0x20: {  	v0 =	vld [tilespmem:s23+$0xFFFFFFB2];
	_ =	sdelay $0x4  }
0x21: {  	[tilespmem:s24+$0xE36A] =	vst v0  }
0x22: {  	v0 =	vld [tilespmem:s23+$0xFFFFFFC8];
	_ =	sdelay $0x4  }
0x23: {  	[tilespmem:s24+$0xE37A] =	vst v0  }
0x24: {  	v0 =	vld [tilespmem:s23+$0xFFFFFFD8];
	_ =	sdelay $0x4  }
0x25: {  	[tilespmem:s24+$0xE38A] =	vst v0  }
0x26: {  	v0 =	vld [tilespmem:s23+$0xFFFFFFE8];
	_ =	sdelay $0x4  }
0x27: {  	[tilespmem:s24+$0xE39A] =	vst v0  }
0x28: {  	v0 =	vld [tilespmem:s23+$0xFFFFFFEA];
	_ =	sdelay $0x4  }
0x29: {  	[tilespmem:s24+$0xE39C] =	vst v0  }
0x2a: {  	v0 =	vld [tilespmem:s23+$0x0];
	_ =	sdelay $0x4  }
0x2b: {  	[tilespmem:s24+$0xE3AC] =	vst v0  }
0x2c: {  	v0 =	vld [tilespmem:s23+$0x10];
	_ =	sdelay $0x4  }
0x2d: {  	[tilespmem:s24+$0xE3BC] =	vst v0  }
0x2e: {  	v0 =	vld [tilespmem:s23+$0x20];
	_ =	sdelay $0x4  }
0x2f: {  	[tilespmem:s24+$0xE3CC] =	vst v0  }
0x30: {  	v0 =	vld [tilespmem:s23+$0x22];
	_ =	sdelay $0x4  }
0x31: {  	[tilespmem:s24+$0xE3CE] =	vst v0  }
0x32: {  	v0 =	vld [tilespmem:s23+$0x38];
	_ =	sdelay $0x4  }
0x33: {  	[tilespmem:s24+$0xE3DE] =	vst v0  }
0x34: {  	v0 =	vld [tilespmem:s23+$0x48];
	_ =	sdelay $0x4  }
0x35: {  	[tilespmem:s24+$0xE3EE] =	vst v0  }
0x36: {  	v0 =	vld [tilespmem:s23+$0x58];
	_ =	sdelay $0x4  }
0x37: {  	[tilespmem:s24+$0xE3FE] =	vst v0  }
0x38: {  	v0 =	vld [tilespmem:s23+$0x5A];
	_ =	sdelay $0x3  }
0x39: {  	p0 =	slt.u32 s21, $0x2;
	s22 =	sadd.s32 s4, s22  }
0x3a: {  	s22 =	smul.u32 $0x32, s22;
	s23 =	simm.s32 @!p0 $0x3;
	[tilespmem:s24+$0xE400] =	vst v0  }
0x3b: {  	_ =	swait.ge @!p0 [sflag:s23], $0x6400  }
0x3c: {  	s22 =	sshrl.u32 s22, $0x3;
	[sflag:s23] =	ssyncset.done @!p0 $0x0  }
0x3d: {  	s22 =	sadd.s32 s2, s22;
	[sflag:s23] =	ssyncadd.s32 @!p0 $0xFFFF9C00  }
0x3e: {  	[hbm4b:s22+s3] =	stream.linear.scatter [tilespmem:s19], [sflag:$0x3], $0x6400, $0x38;
	[tilespmem:$0x1AC00] =	vst v63  }
.LBB2_9:
0x3f: {  	s21 =	sadd.s32 $0x1, s21  }
0x40: {  	p0 =	sne.s32 s21, $0xC8  }
.Ltmp3:
0x41: {  	_ = 	snop;
	(pc) =	sbr.rel @!p0 .LBB2_10-.Ltmp3, $1  }
0x42: {  	_ =	sdelay $0x3  }
.LBB2_2:
0x43: {  	s22 =	sand.u32 $0x1, s21  }
0x44: {  	p0 =	seq.s32 s22, $0x1  }
.Ltmp4:
0x45: {  	_ = 	snop;
	(pc) =	sbr.rel @!p0 .LBB2_3-.Ltmp4, $1  }
0x46: {  	_ =	sdelay $0x3  }
0x47: {  	p0 =	seq.s32 s21, $0xC7  }
0x48: {  	s22 =	sshll.u32 @!p0 s21, $0x9  }
0x49: {  	_ =	swait.ge [sflag:s13], $0x7000;
	s22 =	sadd.s32 @!p0 s22, s8  }
0x4a: {  	[sflag:s13] =	ssyncset.done $0x0;
	s22 =	sshrl.u32 @!p0 s22, $0x3  }
0x4b: {  	s23 =	simm.s32 @!p0 $0x0;
	[sflag:s13] =	ssyncadd.s32 $0xFFFF9000;
	s22 =	sadd.s32 @!p0 s6, s22  }
0x4c: {  	[tilespmem:s23], [sflag:$0x5] =	stream.linear.gather @!p0 [hbm4b:s22+s23], $0x200, $0x38;
	[tilespmem:$0x1AC00] =	vst v63  }
0x4d: {  	s22 =	simm.s32 @!p0 $0x5  }
0x4e: {  	_ =	swait.ge @!p0 [sflag:s22], $0x200  }
0x4f: {  	[sflag:s22] =	ssyncset.done @!p0 $0x0  }
0x50: {  	s24 =	simm.s32 @!p0 $0x400;
	[sflag:s22] =	ssyncadd.s32 @!p0 $0xFFFFFE00;
	s22 =	simm.s32 @!p0 $0x200  }
0x51: {  	[tilespmem:s24], [sflag:$0x1] =	stream.indirect.gather @!p0 [hbm4b:s5+s22], $0x38, s23, s22, $0xb8;
	[tilespmem:$0x1AC00] =	vst v63  }
0x52: {  	s22 =	simm.s32 $0x7470  }
0x53: {  	s23 =	simm.s32 $0x2E0;
	s24 =	simm.s32 $0x600;
	v0 =	vld [tilespmem:s22+$0xFFFFFF90]  }
.LBB2_7:
0x54: {  	p0 =	sne.s32 s24, $0x18FC0;
	_ =	sdelay $0x2  }
0x55: {  	s25 =	sshra.s32 s23, $0x2;
	s23 =	smov.u32 s24  }
0x56: {  	[tilespmem:s25+$0x14748] =	vst v0  }
0x57: {  	v0 =	vld [tilespmem:s22+$0xFFFFFFA0];
	_ =	sdelay $0x4  }
0x58: {  	[tilespmem:s25+$0x14758] =	vst v0  }
0x59: {  	v0 =	vld [tilespmem:s22+$0xFFFFFFB0];
	_ =	sdelay $0x4  }
0x5a: {  	[tilespmem:s25+$0x14768] =	vst v0  }
0x5b: {  	v0 =	vld [tilespmem:s22+$0xFFFFFFB2];
	_ =	sdelay $0x4  }
0x5c: {  	[tilespmem:s25+$0x1476A] =	vst v0  }
0x5d: {  	v0 =	vld [tilespmem:s22+$0xFFFFFFC8];
	_ =	sdelay $0x4  }
0x5e: {  	[tilespmem:s25+$0x1477A] =	vst v0  }
0x5f: {  	v0 =	vld [tilespmem:s22+$0xFFFFFFD8];
	_ =	sdelay $0x4  }
0x60: {  	[tilespmem:s25+$0x1478A] =	vst v0  }
0x61: {  	v0 =	vld [tilespmem:s22+$0xFFFFFFE8];
	_ =	sdelay $0x4  }
0x62: {  	[tilespmem:s25+$0x1479A] =	vst v0  }
0x63: {  	v0 =	vld [tilespmem:s22+$0xFFFFFFEA];
	_ =	sdelay $0x4  }
0x64: {  	[tilespmem:s25+$0x1479C] =	vst v0  }
0x65: {  	v0 =	vld [tilespmem:s22+$0x0];
	_ =	sdelay $0x4  }
0x66: {  	[tilespmem:s25+$0x147AC] =	vst v0  }
0x67: {  	v0 =	vld [tilespmem:s22+$0x10];
	_ =	sdelay $0x4  }
0x68: {  	[tilespmem:s25+$0x147BC] =	vst v0  }
0x69: {  	v0 =	vld [tilespmem:s22+$0x20];
	_ =	sdelay $0x4  }
0x6a: {  	[tilespmem:s25+$0x147CC] =	vst v0  }
0x6b: {  	v0 =	vld [tilespmem:s22+$0x22];
	_ =	sdelay $0x4  }
0x6c: {  	[tilespmem:s25+$0x147CE] =	vst v0  }
0x6d: {  	v0 =	vld [tilespmem:s22+$0x38];
	_ =	sdelay $0x4  }
0x6e: {  	[tilespmem:s25+$0x147DE] =	vst v0  }
0x6f: {  	v0 =	vld [tilespmem:s22+$0x48];
	_ =	sdelay $0x4  }
0x70: {  	[tilespmem:s25+$0x147EE] =	vst v0  }
0x71: {  	v0 =	vld [tilespmem:s22+$0x58];
	_ =	sdelay $0x4  }
0x72: {  	[tilespmem:s25+$0x147FE] =	vst v0  }
0x73: {  	v0 =	vld [tilespmem:s22+$0x5A];
	_ =	sdelay $0x1  }
.Ltmp5:
0x74: {  	(pc) =	sbr.rel @p0 .LBB2_7-.Ltmp5, $3  }
0x75: {  	_ =	sdelay $0x1  }
0x76: {  	s22 =	sadd.s32 $0xE0, s22;
	[tilespmem:s25+$0x14800] =	vst v0  }
0x77: {  	s24 =	sadd.s32 $0x320, s24;
	v0 =	vld [tilespmem:s22+$0xFFFFFF90]  }
0x78: {  	_ =	sdelay $0x2  }
0x79: {  	s23 =	sshra.s32 s23, $0x2  }
0x7a: {  	[tilespmem:s23+$0x14748] =	vst v0  }
0x7b: {  	v0 =	vld [tilespmem:s22+$0xFFFFFFA0];
	_ =	sdelay $0x4  }
0x7c: {  	[tilespmem:s23+$0x14758] =	vst v0  }
0x7d: {  	v0 =	vld [tilespmem:s22+$0xFFFFFFB0];
	_ =	sdelay $0x4  }
0x7e: {  	[tilespmem:s23+$0x14768] =	vst v0  }
0x7f: {  	v0 =	vld [tilespmem:s22+$0xFFFFFFB2];
	_ =	sdelay $0x4  }
0x80: {  	[tilespmem:s23+$0x1476A] =	vst v0  }
0x81: {  	v0 =	vld [tilespmem:s22+$0xFFFFFFC8];
	_ =	sdelay $0x4  }
0x82: {  	[tilespmem:s23+$0x1477A] =	vst v0  }
0x83: {  	v0 =	vld [tilespmem:s22+$0xFFFFFFD8];
	_ =	sdelay $0x4  }
0x84: {  	[tilespmem:s23+$0x1478A] =	vst v0  }
0x85: {  	v0 =	vld [tilespmem:s22+$0xFFFFFFE8];
	_ =	sdelay $0x4  }
0x86: {  	[tilespmem:s23+$0x1479A] =	vst v0  }
0x87: {  	v0 =	vld [tilespmem:s22+$0xFFFFFFEA];
	_ =	sdelay $0x4  }
0x88: {  	[tilespmem:s23+$0x1479C] =	vst v0  }
0x89: {  	v0 =	vld [tilespmem:s22+$0x0];
	_ =	sdelay $0x4  }
0x8a: {  	[tilespmem:s23+$0x147AC] =	vst v0  }
0x8b: {  	v0 =	vld [tilespmem:s22+$0x10];
	_ =	sdelay $0x4  }
0x8c: {  	[tilespmem:s23+$0x147BC] =	vst v0  }
0x8d: {  	v0 =	vld [tilespmem:s22+$0x20];
	_ =	sdelay $0x4  }
0x8e: {  	[tilespmem:s23+$0x147CC] =	vst v0  }
0x8f: {  	v0 =	vld [tilespmem:s22+$0x22];
	_ =	sdelay $0x4  }
0x90: {  	[tilespmem:s23+$0x147CE] =	vst v0  }
0x91: {  	v0 =	vld [tilespmem:s22+$0x38];
	_ =	sdelay $0x4  }
0x92: {  	[tilespmem:s23+$0x147DE] =	vst v0  }
0x93: {  	v0 =	vld [tilespmem:s22+$0x48];
	_ =	sdelay $0x4  }
0x94: {  	[tilespmem:s23+$0x147EE] =	vst v0  }
0x95: {  	v0 =	vld [tilespmem:s22+$0x58];
	_ =	sdelay $0x4  }
0x96: {  	[tilespmem:s23+$0x147FE] =	vst v0  }
0x97: {  	v0 =	vld [tilespmem:s22+$0x5A];
	_ =	sdelay $0x1  }
0x98: {  	s31 =	sshll.u32 s21, $0x9  }
0x99: {  	s22 =	sadd.s32 s4, s31  }
0x9a: {  	p0 =	slt.u32 s21, $0x2;
	s22 =	smul.u32 $0x32, s22  }
.Ltmp6:
0x9b: {  	[tilespmem:s23+$0x14800] =	vst v0;
	s23 =	simm.s32 @!p0 $0x4;
	(pc) =	sbr.rel .LBB2_9-.Ltmp6, $4  }
0x9c: {  	_ =	swait.ge @!p0 [sflag:s23], $0x6400  }
0x9d: {  	s22 =	sshrl.u32 s22, $0x3;
	[sflag:s23] =	ssyncset.done @!p0 $0x0  }
0x9e: {  	s22 =	sadd.s32 s2, s22;
	[sflag:s23] =	ssyncadd.s32 @!p0 $0xFFFF9C00  }
0x9f: {  	[hbm4b:s22+s3] =	stream.linear.scatter [tilespmem:s14], [sflag:$0x4], $0x6400, $0x38;
	[tilespmem:$0x1AC00] =	vst v63  }
.LBB2_3:
0xa0: {  	s22 =	sshll.u32 s21, $0x9  }
0xa1: {  	_ =	swait.ge [sflag:s17], $0x7000;
	s23 =	sadd.s32 s22, s8  }
0xa2: {  	[sflag:s17] =	ssyncset.done $0x0;
	s23 =	sshrl.u32 s23, $0x3  }
0xa3: {  	[sflag:s17] =	ssyncadd.s32 $0xFFFF9000;
	s23 =	sadd.s32 s6, s23  }
0xa4: {  	[tilespmem:s11], [sflag:$0x5] =	stream.linear.gather [hbm4b:s23+s3], $0x200, $0x38;
	[tilespmem:$0x1AC00] =	vst v63  }
0xa5: {  	_ =	swait.ge [sflag:s10], $0x200  }
0xa6: {  	[sflag:s10] =	ssyncset.done $0x0  }
0xa7: {  	s23 =	simm.s32 $0x470;
	[sflag:s10] =	ssyncadd.s32 $0xFFFFFE00  }
0xa8: {  	[tilespmem:s18], [sflag:$0x2] =	stream.indirect.gather [hbm4b:s5+s11], $0x38, s11, s11, $0xb8;
	[tilespmem:$0x1AC00] =	vst v63  }
0xa9: {  	s24 =	simm.s32 $0x2E0;
	s25 =	simm.s32 $0x600;
	v0 =	vld [tilespmem:s23+$0xFFFFFF90]  }
.LBB2_4:
0xaa: {  	p0 =	sne.s32 s25, $0x18FC0;
	_ =	sdelay $0x2  }
0xab: {  	s26 =	sshra.s32 s24, $0x2;
	s24 =	smov.u32 s25  }
0xac: {  	[tilespmem:s26+$0xE348] =	vst v0  }
0xad: {  	v0 =	vld [tilespmem:s23+$0xFFFFFFA0];
	_ =	sdelay $0x4  }
0xae: {  	[tilespmem:s26+$0xE358] =	vst v0  }
0xaf: {  	v0 =	vld [tilespmem:s23+$0xFFFFFFB0];
	_ =	sdelay $0x4  }
0xb0: {  	[tilespmem:s26+$0xE368] =	vst v0  }
0xb1: {  	v0 =	vld [tilespmem:s23+$0xFFFFFFB2];
	_ =	sdelay $0x4  }
0xb2: {  	[tilespmem:s26+$0xE36A] =	vst v0  }
0xb3: {  	v0 =	vld [tilespmem:s23+$0xFFFFFFC8];
	_ =	sdelay $0x4  }
0xb4: {  	[tilespmem:s26+$0xE37A] =	vst v0  }
0xb5: {  	v0 =	vld [tilespmem:s23+$0xFFFFFFD8];
	_ =	sdelay $0x4  }
0xb6: {  	[tilespmem:s26+$0xE38A] =	vst v0  }
0xb7: {  	v0 =	vld [tilespmem:s23+$0xFFFFFFE8];
	_ =	sdelay $0x4  }
0xb8: {  	[tilespmem:s26+$0xE39A] =	vst v0  }
0xb9: {  	v0 =	vld [tilespmem:s23+$0xFFFFFFEA];
	_ =	sdelay $0x4  }
0xba: {  	[tilespmem:s26+$0xE39C] =	vst v0  }
0xbb: {  	v0 =	vld [tilespmem:s23+$0x0];
	_ =	sdelay $0x4  }
0xbc: {  	[tilespmem:s26+$0xE3AC] =	vst v0  }
0xbd: {  	v0 =	vld [tilespmem:s23+$0x10];
	_ =	sdelay $0x4  }
0xbe: {  	[tilespmem:s26+$0xE3BC] =	vst v0  }
0xbf: {  	v0 =	vld [tilespmem:s23+$0x20];
	_ =	sdelay $0x4  }
0xc0: {  	[tilespmem:s26+$0xE3CC] =	vst v0  }
0xc1: {  	v0 =	vld [tilespmem:s23+$0x22];
	_ =	sdelay $0x4  }
0xc2: {  	[tilespmem:s26+$0xE3CE] =	vst v0  }
0xc3: {  	v0 =	vld [tilespmem:s23+$0x38];
	_ =	sdelay $0x4  }
0xc4: {  	[tilespmem:s26+$0xE3DE] =	vst v0  }
0xc5: {  	v0 =	vld [tilespmem:s23+$0x48];
	_ =	sdelay $0x4  }
0xc6: {  	[tilespmem:s26+$0xE3EE] =	vst v0  }
0xc7: {  	v0 =	vld [tilespmem:s23+$0x58];
	_ =	sdelay $0x4  }
0xc8: {  	[tilespmem:s26+$0xE3FE] =	vst v0  }
0xc9: {  	v0 =	vld [tilespmem:s23+$0x5A];
	_ =	sdelay $0x1  }
.Ltmp7:
0xca: {  	(pc) =	sbr.rel @p0 .LBB2_4-.Ltmp7, $3  }
0xcb: {  	_ =	sdelay $0x1  }
0xcc: {  	s23 =	sadd.s32 $0xE0, s23;
	[tilespmem:s26+$0xE400] =	vst v0  }
0xcd: {  	s25 =	sadd.s32 $0x320, s25;
	v0 =	vld [tilespmem:s23+$0xFFFFFF90]  }
.Ltmp8:
0xce: {  	_ = 	snop;
	(pc) =	sbr.rel .LBB2_5-.Ltmp8, $1  }
0xcf: {  	_ =	sdelay $0x3  }
.LBB2_11:
0xd0: {  	_ =	sfence.sel $0x180000  }
0xd1: {  	[bflag:$0x0] =	sbarrier.arrive $0xFFFF  }
0xd2: {  	p0 =	sne.s32 s0, $0x0;
	_ =	strace $0x90000047  }
0xd3: {  	s0 =	sadd.s32 @!p0 $0x100000, s1;
	[bflag:$0x2] =	sbarrier.arrive $0xFFFF  }
0xd4: {  	[sflag:s0] =	ssyncadd.tile.s32 @!p0 $0x1;
	_ =	shalt  }
.Lfunc_end2:
_tile_overlayer_lowered:
.L_overlay_start_2:
0xd5: {  	(tag) =	ssettag $0x2  }
0xd6: {  	s0 =	rddreg [dreg:$0x0];
	s2 =	stileid.u32  }
0xd7: {  	s1 =	rddreg [dreg:$0x1];
	p0 =	sne.s32 s2, $0x0  }
0xd8: {  	s3 =	rddreg [dreg:$0x2];
	[bflag:$0x3] =	sbarrier.arrive $0xFFFF;
	s2 =	simm.s32 @!p0 $0x1C05  }
0xd9: {  	[timem:s3], [sflag:s2] =	dma.local @!p0 [hbm:s0], s1  }
0xda: {  	s0 =	simm.s32 @!p0 $0x5  }
0xdb: {  	_ =	swait.ge @!p0 [sflag:s0], s1  }
0xdc: {  	s1 =	ssub.s32 @!p0 $0x0, s1;
	[sflag:s0] =	ssyncset.done @!p0 $0x0  }
0xdd: {  	[sflag:s0] =	ssyncadd.s32 @!p0 s1  }
0xde: {  	[bflag:$0x3] =	sbarrier.arrive $0xFFFF  }
0xdf: {  	_ =	shalt  }

// kernel: sparse-core-data-format-call.cloned.1.call-start
scs
called_computation_lowered:
.L_overlay_start_0:
0x0: {  	s2 =	sld [smem:$0x3FD9]  }
0x1: {  	s3 =	sld [smem:$0x3FFE];
	_ =	sdelay $0x1  }
0x2: {  	s1 =	srdreg.scid  }
0x3: {  	s0 =	sand.u32 $0x1, s1  }
0x4: {  	s18 =	sshll.u32 s0, $0xA;
	s2 =	sadd.s32 s3, s2  }
0x5: {  	s2 =	sadd.s32 s2, s18  }
0x6: {  	[smem:$0x3FC6] =	sst s2  }
0x7: {  	_ = 	snop  }
0x8: {  	s2 =	sld [smem:$0x3FD0];
	(tm) =	ssettm $0x1  }
0x9: {  	s19 =	sld [smem:$0x3FFB];
	_ =	sdelay $0x3  }
0xa: {  	_ =	strace s19  }
0xb: {  	s3 =	sld [smem:$0x3FFC];
	_ =	sdelay $0x3  }
0xc: {  	_ =	strace s3  }
0xd: {  	s3 =	sld [smem:$0x3FFD];
	_ =	sdelay $0x3  }
0xe: {  	_ =	strace s3  }
0xf: {  	_ =	strace $0x8FFFFFFF  }
0x10: {  	s20 =	sld [smem:$0x3FDB];
	_ =	sdelay $0x1  }
0x11: {  	s4 =	simm.s32 $_scs_section_size  }
0x12: {  	s5 =	simm.s32 $_size__tile_overlayer_lowered;
	s6 =	simm.s32 $_tile_overlayer_lowered  }
0x13: {  	s23 =	simm.s32 $0x1BFF;
	s22 =	sshll.u32 s6, $0x1;
	s3 =	sadd.s32 s4, s20  }
0x14: {  	s7 =	simm.s32 $0x0;
	s21 =	sshll.u32 s5, $0x1;
	s5 =	sadd.s32 s22, s3  }
0x15: {  	[timem:s7], [sflag:s23] =	dma.local [hbm:s5], s21  }
0x16: {  	_ =	swait.ge [sflag:s23], s21  }
0x17: {  	s4 =	ssub.s32 $0x0, s21;
	[sflag:s23] =	ssyncset.done $0x0  }
0x18: {  	[sflag:s23] =	ssyncadd.s32 s4;
	_ =	sdelay $0x1  }
0x19: {  	s24 =	simm.s32 $0x1B8B  }
0x1a: {  	_ =	swait.ge [sflag:s24], $0x1  }
0x1b: {  	[sflag:s24] =	ssyncset.done $0x0  }
0x1c: {  	s26 =	simm.s32 $0x1B8E;
	s25 =	sld [smem:$0x3FFE];
	[sflag:s24] =	ssyncadd.s32 $0xFFFFFFFF  }
0x1d: {  	s27 =	simm.s32 $execute0_lowered;
	[smem:$0x3FD2] =	sst s26  }
0x1e: {  	s5 =	sshll.u32 s27, $0x1;
	_ =	strace $0x80000049;
	[dreg:$0x1] =	wrdreg $0xFFFFFFFF  }
0x1f: {  	s28 =	simm.s32 $_size_execute0_lowered;
	s3 =	sadd.s32 s3, s5;
	[dreg:$0x0] =	wrdreg $0x0  }
0x20: {  	s5 =	sshll.u32 s28, $0x1;
	[dreg:$0x2] =	wrdreg s3  }
0x21: {  	[dreg:$0x3] =	wrdreg s5  }
0x22: {  	[dreg:$0x4] =	wrdreg $0xC0  }
0x23: {  	_ =	task [dreg:s7], $0x5FFFF  }
0x24: {  	[dreg:$0x1] =	wrdreg $0xFFFFFFFF  }
0x25: {  	[dreg:$0x0] =	wrdreg $0x60  }
0x26: {  	[dreg:$0x2] =	wrdreg s25  }
0x27: {  	[dreg:$0x3] =	wrdreg s2  }
0x28: {  	[dreg:$0x4] =	wrdreg $0x9  }
0x29: {  	_ =	task.clear_ibuf [dreg:s7], $0x5FFFF;
	_ =	strace $0x90000049  }
0x2a: {  	s29 =	simm.s32 $0x9;
	_ =	strace $0x8000004B  }
0x2b: {  	_ =	swait.ge [sflag:s29], $0x1  }
0x2c: {  	[sflag:s29] =	ssyncadd.s32 $0xFFFFFFFF  }
0x2d: {  	_ =	strace $0x9000004B  }
0x2e: {  	_ =	sfence  }
0x2f: {  	s30 =	sld [smem:$0x0];
	_ =	sdelay $0x2  }
0x30: {  	s31 =	sshll.u32 s1, $0xD;
	s1 =	sshrl.u32 s1, $0x2  }
0x31: {  	s3 =	sand.u32 $0x4000, s31;
	s1 =	sadd.s32 s1, s30  }
0x32: {  	s0 =	sor.u32 s3, s0;
	s1 =	sshll.u32 s1, $0x11  }
0x33: {  	s0 =	sor.u32 s1, s0  }
0x34: {  	s0 =	sadd.s32 $0x8F2B, s0  }
0x35: {  	[sflag:s0] =	ssyncadd.remote.s32 $0x1  }
0x36: {  	_ =	sfence.sel $0xFFFF  }
0x37: {  	[dreg:$0x0] =	wrdreg $0xFFFFFFFF;
	(pc) =	sbr.abs _section_cstart, $3  }
0x38: {  	[dreg:$0x1] =	wrdreg $0xFFFFFFFF  }
0x39: {  	_ =	task.clear_ibuf [dreg:s7], $0x2FFFF;
	_ =	strace $0x9FFFFFFF  }
0x3a: {  	(tm) =	ssettm $0x7FFFFFFF  }
0x3b: {  	_ =	shalt  }
tec
execute0_lowered:
.L_overlay_start_1:
0x0: {  	(tag) =	ssettag $0x1  }
0x1: {  	s0 =	srdreg.scid  }
0x2: {  	s1 =	sshll.u32 s0, $0x4  }
0x3: {  	s6 =	rddreg [dreg:$0x0];
	s0 =	stileid.u32;
	s1 =	sand.u32 $0x10, s1  }
0x4: {  	s3 =	rddreg [dreg:$0x1];
	s1 =	sor.u32 s0, s1  }
0x5: {  	s5 =	simm.s32 $0x1;
	s31 =	simm.s32 $0x2;
	s2 =	sshll.u32 s1, $0x7  }
0x6: {  	s15 =	simm.s32 $0x0;
	s8 =	simm.s32 $0x320000;
	s4 =	ssub.s32 $0x4000, s2  }
0x7: {  	s14 =	simm.s32 $0x0;
	s9 =	simm.s32 $0x0;
	s30 =	sand.u32 $0xF80, s4  }
0x8: {  	s10 =	simm.s32 $0x0;
	s11 =	simm.s32 $0x0;
	p0 =	sne.s32 s30, $0x0  }
.Ltmp0:
0x9: {  	s7 =	sshrl.u32 s4, $0xC;
	s5 =	simm.s32 @!p0 $0x0;
	(pc) =	sbr.rel .LBB1_1-.Ltmp0, $4  }
0xa: {  	s13 =	simm.s32 $0x0;
	s1 =	rddreg [dreg:$0x2];
	s5 =	sadd.s32 s5, s7  }
0xb: {  	_ =	strace $0x8000004A;
	s4 =	simm.s32 $0x1;
	s5 =	smul.u32 $0xC8, s5  }
0xc: {  	s6 =	sadd.s32 $0x800, s6;
	s12 =	smov.u32 s2;
	[sflag:s4] =	ssyncpa.u1 $0x0  }
0xd: {  	[sflag:s31] =	ssyncpa.u1 $0x0;
	p0 =	por $0x0, $0x0;
	s7 =	sor.u32 $0x1, s5  }
.LBB1_4:
0xe: {  	s18 =	sshll.u32 s9, $0xE;
	s19 =	sand.u32 $0x78, s10;
	s20 =	sshll.u32 s10, $0x3  }
0xf: {  	s22 =	sshll.u32 s9, $0x7;
	p1 =	sgt.s32 s9, $0xC7;
	s25 =	sshra.s32 s9, $0x1F  }
0x10: {  	s23 =	smov.u32 s10;
	s24 =	sshra.s32 s10, $0x1F;
	s29 =	sand.u32 $0x7, s10  }
0x11: {  	s18 =	sand.u32 $0xFFFE0000, s18;
	s21 =	sand.u32 $0xFFFFFC00, s20;
	s20 =	sand.u32 $0x3C00, s20  }
0x12: {  	s30 =	sand.u32 $0x380, s22;
	s22 =	sand.u32 s25, s9;
	s18 =	sadd.s32 s21, s18  }
0x13: {  	s19 =	sor.u32 s19, s20;
	s20 =	smov.u32 s9;
	s18 =	sshrl.u32 s18, $0xE  }
0x14: {  	s20 =	simm.s32 @!p1 $0xC7;
	p1 =	sgt.s32 s10, $0x3F80;
	s31 =	smulhi.u32 $0x147AE15, s18  }
0x15: {  	s26 =	sand.u32 s24, s10;
	s20 =	ssub.s32 s20, s22;
	s23 =	simm.s32 @!p1 $0x3F80  }
0x16: {  	s27 =	ssub.s32 $0xC8, s20;
	s22 =	ssub.s32 s23, s26;
	s21 =	smul.u32 $0xC8, s31  }
0x17: {  	s20 =	sadd.s32 $0xFFFFFF39, s20;
	s23 =	smul.u32 $0x32, s27;
	s28 =	sadd.s32 $0xFFFFC080, s22  }
0x18: {  	p1 =	sgt.s32 s20, $0x0;
	s20 =	ssub.s32 $0x4000, s22;
	p2 =	sgt.s32 s28, $0x7F  }
0x19: {  	s19 =	sor.u32 s30, s19;
	s23 =	simm.s32 @p1 $0x0;
	s20 =	simm.s32 @p2 $0x0  }
0x1a: {  	[tilespmem:s17+$0x810 ss:$0x81] =	vst.msk $0xffff, v2;
	s19 =	sshrl.u32 s19, $0x3;
	s18 =	ssub.s32 s18, s21;
	s20 =	smul.u32 s20, s23  }
0x1b: {  	[tilespmem:s17+$0x1020 ss:$0x81] =	vst.msk $0xffff, v0;
	s19 =	sadd.s32 s3, s19;
	s21 =	sshll.u32 s29, $0x12;
	s18 =	sshll.u32 s18, $0xB  }
0x1c: {  	[tilespmem:s17+$0x0 ss:$0x81] =	vst.msk $0xffff, v1;
	s31 =	sor.u32 $0x80, s21;
	s18 =	sadd.s32 s18, s19;
	s30 =	sand.u32 $0x3FFFFFFE, s20  }
0x1d: {  	[hbm4b:s18+s31] =	stream.strided.scatter [tilespmem:s16], [sflag:$0x2], s30, s8, s31, $0x20;
	[tilespmem:$0x8080] =	vst v63  }
.LBB1_5:
0x1e: {  	p1 =	slt.u32 s13, $0x2  }
0x1f: {  	s17 =	smov.u32 s15;
	p2 =	sgt.s32 @!p1 s15, $0xC7;
	s16 =	sshra.s32 @!p1 s15, $0x1F  }
0x20: {  	p3 =	sgt.s32 @!p1 s14, $0x3F80;
	s18 =	sshra.s32 @!p1 s14, $0x1F;
	p2 =	por !p2, p1  }
0x21: {  	s15 =	sand.u32 @!p1 s16, s15;
	p3 =	por !p3, p1;
	s16 =	smov.u32 s14  }
0x22: {  	s14 =	sand.u32 @!p1 s18, s14;
	s17 =	simm.s32 @p2 $0xC7;
	s16 =	simm.s32 @p3 $0x3F80  }
0x23: {  	s18 =	smov.u32 s12;
	s15 =	ssub.s32 @!p1 s17, s15;
	s14 =	ssub.s32 @!p1 s16, s14  }
0x24: {  	s16 =	sadd.s32 @!p1 $0xFFFFFF39, s15;
	s15 =	ssub.s32 @!p1 $0xC8, s15;
	s17 =	sadd.s32 @!p1 $0xFFFFC080, s14  }
0x25: {  	p2 =	sgt.s32 @!p1 s16, $0x0;
	s15 =	smul.u32 @!p1 $0x32, s15;
	p3 =	sgt.s32 @!p1 s17, $0x7F  }
0x26: {  	s14 =	ssub.s32 @!p1 $0x4000, s14;
	p2 =	por !p2, p1;
	p3 =	por !p3, p1  }
0x27: {  	s16 =	sadd.s32 $0x1, s11;
	s15 =	simm.s32 @!p2 $0x0;
	s14 =	simm.s32 @!p3 $0x0  }
0x28: {  	p2 =	sgt.s32 s16, $0xC7;
	s14 =	smul.u32 @!p1 s14, s15;
	s15 =	sadd.s32 $0x1000, s12  }
0x29: {  	s18 =	smov.u32 @p2 s15  }
0x2a: {  	s16 =	simm.s32 @p2 $0x0;
	p2 =	sgt.s32 s18, $0x3FFF  }
0x2b: {  	s18 =	smov.u32 @p2 s2;
	p2 =	sne.s32 s13, s7  }
.Ltmp1:
0x2c: {  	p0 =	por !p0, !p0;
	s17 =	simm.s32 @!p1 $0x2;
	(pc) =	sbr.rel @!p2 .LBB1_6-.Ltmp1, $4  }
0x2d: {  	s15 =	smov.u32 s9;
	s9 =	smov.u32 s11;
	s14 =	sand.u32 @!p1 $0x3FFFFFFE, s14  }
0x2e: {  	s11 =	smov.u32 s16;
	_ =	swait.ge @!p1 [sflag:s17], s14;
	s19 =	ssub.s32 @!p1 $0x0, s14  }
0x2f: {  	s14 =	smov.u32 s10;
	s13 =	sadd.s32 $0x1, s13;
	[sflag:s17] =	ssyncset.done @!p1 $0x0  }
0x30: {  	s10 =	smov.u32 s12;
	s12 =	smov.u32 s18;
	[sflag:s17] =	ssyncadd.s32 @!p1 s19  }
.LBB1_1:
0x31: {  	p1 =	sge.u32 s13, s5  }
0x32: {  	s16 =	sand.u32 @!p1 $0x1FFFFFF, s11  }
0x33: {  	s17 =	smulhi.u32 @!p1 $0x147AE15, s16;
	_ =	sdelay $0x1  }
0x34: {  	s17 =	smul.u32 @!p1 $0xC8, s17  }
0x35: {  	s18 =	sxor.u32 @!p1 $0xFFFFFFFF, s13;
	s19 =	smul.u32 @!p1 $0xC80, s12  }
0x36: {  	s31 =	sadd.s32 $0xFFFFFFFF, s13;
	s18 =	sshll.u32 @!p1 s18, $0xD;
	s16 =	ssub.s32 @!p1 s16, s17  }
0x37: {  	s17 =	sand.u32 @!p1 $0x2000, s18;
	s18 =	sadd.s32 @!p1 s6, s19;
	s16 =	sshll.u32 @!p1 s16, $0x4  }
0x38: {  	s19 =	simm.s32 @!p1 $0x6400;
	s16 =	sadd.s32 @!p1 s16, s18;
	s18 =	simm.s32 @!p1 $0x40  }
0x39: {  	[tilespmem:s17], [sflag:$0x1] =	stream.strided.gather @!p1 [hbm4b:s16+s18], $0x2000, s19, s18, $0x38;
	[tilespmem:$0x8080] =	vst v63  }
0x3a: {  	p1 =	sge.u32 s31, s5  }
.Ltmp2:
0x3b: {  	_ = 	snop;
	(pc) =	sbr.rel @p1 .LBB1_5-.Ltmp2, $1  }
0x3c: {  	_ =	sdelay $0x3  }
0x3d: {  	s16 =	simm.s32 $0x1  }
0x3e: {  	_ =	swait.ge [sflag:s4], $0x2000;
	s16 =	simm.s32 @!p0 $0x0  }
0x3f: {  	[sflag:s4] =	ssyncset.done $0x0;
	s17 =	sshll.u32 s16, $0xD  }
0x40: {  	[sflag:s4] =	ssyncadd.s32 $0xFFFFE000;
	s20 =	sor.u32 $0x20, s17  }
0x41: {  	s16 =	smul.u32 $0x8100, s16;
	v3 =	vld [tilespmem:s20+$0x10]  }
0x42: {  	s30 =	sand.u32 $0x1, s13;
	v2 =	vld [tilespmem:s20+$0xFFFFFFF0]  }
0x43: {  	s17 =	smul.u32 $0x8100, s30;
	s16 =	sshrl.u32 s16, $0x2;
	v0 =	vld [tilespmem:s20+$0x0]  }
0x44: {  	v1 =	vld [tilespmem:s20+$0xFFFFFFE0];
	s18 =	sor.u32 $0x4000, s16  }
0x45: {  	s31 =	sshrl.u32 s17, $0x2;
	s17 =	sadd.s32 $0x0, s18  }
0x46: {  	s19 =	simm.s32 $0x4;
	s20 =	sadd.s32 $0x40, s20;
	s16 =	sor.u32 $0x4000, s31;
	[tilespmem:s17+$0x1830 ss:$0x81] =	vst.msk $0xffff, v3  }
.LBB1_3:
0x47: {  	v3 =	vld [tilespmem:s20+$0x10];
	p1 =	sne.s32 s19, $0x1FC;
	[tilespmem:s17+$0x810 ss:$0x81] =	vst.msk $0xffff, v2;
	s21 =	smov.u32 s19;
	s19 =	sadd.s32 $0x4, s19  }
.Ltmp3:
0x48: {  	v2 =	vld [tilespmem:s20+$0xFFFFFFF0];
	[tilespmem:s17+$0x1020 ss:$0x81] =	vst.msk $0xffff, v0;
	(pc) =	sbr.rel @p1 .LBB1_3-.Ltmp3, $4  }
0x49: {  	v0 =	vld [tilespmem:s20+$0x0];
	[tilespmem:s17+$0x0 ss:$0x81] =	vst.msk $0xffff, v1  }
0x4a: {  	s17 =	sshra.s32 s21, $0x2;
	v1 =	vld [tilespmem:s20+$0xFFFFFFE0]  }
0x4b: {  	s17 =	sadd.s32 s17, s18  }
0x4c: {  	s20 =	sadd.s32 $0x40, s20;
	[tilespmem:s17+$0x1830 ss:$0x81] =	vst.msk $0xffff, v3  }
.Ltmp4:
0x4d: {  	_ = 	snop;
	(pc) =	sbr.rel .LBB1_4-.Ltmp4, $1  }
0x4e: {  	_ =	sdelay $0x3  }
.LBB1_6:
0x4f: {  	_ =	sfence.sel $0x180000  }
0x50: {  	s2 =	simm.s32 $0x1;
	[bflag:$0x0] =	sbarrier.arrive $0xFFFF  }
0x51: {  	s31 =	simm.s32 $0x2;
	[sflag:s2] =	ssyncpa.u1 $0x1  }
0x52: {  	[sflag:s31] =	ssyncpa.u1 $0x1  }
0x53: {  	p0 =	sne.s32 s0, $0x0;
	_ =	strace $0x9000004A  }
0x54: {  	s0 =	sadd.s32 @!p0 $0x100000, s1;
	[bflag:$0x2] =	sbarrier.arrive $0xFFFF  }
0x55: {  	[sflag:s0] =	ssyncadd.tile.s32 @!p0 $0x1;
	_ =	shalt  }
.Lfunc_end1:
_tile_overlayer_lowered:
.L_overlay_start_2:
0x56: {  	(tag) =	ssettag $0x2  }
0x57: {  	s0 =	rddreg [dreg:$0x0];
	s2 =	stileid.u32  }
0x58: {  	s1 =	rddreg [dreg:$0x1];
	p0 =	sne.s32 s2, $0x0  }
0x59: {  	s3 =	rddreg [dreg:$0x2];
	[bflag:$0x3] =	sbarrier.arrive $0xFFFF;
	s2 =	simm.s32 @!p0 $0x1C01  }
0x5a: {  	[timem:s3], [sflag:s2] =	dma.local @!p0 [hbm:s0], s1  }
0x5b: {  	s0 =	simm.s32 @!p0 $0x1  }
0x5c: {  	_ =	swait.ge @!p0 [sflag:s0], s1  }
0x5d: {  	s1 =	ssub.s32 @!p0 $0x0, s1;
	[sflag:s0] =	ssyncset.done @!p0 $0x0  }
0x5e: {  	[sflag:s0] =	ssyncadd.s32 @!p0 s1  }
0x5f: {  	[bflag:$0x3] =	sbarrier.arrive $0xFFFF  }
0x60: {  	_ =	shalt  }

</sc_bundles>
